<compile_context>
chip_gen: v7x
topology: tpu7x:2x2x1
jax: 0.10.2.dev20260603
libtpu: 0.0.44.dev20260713+nightly
codegen_flags: <defaults>
</compile_context>

<pallas_src>
import functools

import jax
import jax.numpy as jnp
from jax import lax
from jax.experimental import pallas as pl
from jax.experimental.pallas import tpu as pltpu
from jax.experimental.pallas import tpu_sc as plsc

N = 10000
D = 128
E = 320000
G = 256

NC = 2
NS = 16
NW = NC * NS

CH = 128
CPW = 80
E_PAD = NW * CPW * CH
N_ACC = 10240
SPC = 40
ZB = 32
OUT_STRIPE = 624

P_ROWS = 320
N_POOL_PAD = NW * P_ROWS
G_ACC = G + 8


def _seg_sum_body(h_hbm, src_hbm, dst_hbm, out_hbm,
                  src_v, dst_v, rows_v, zb_v, agg_sh, sem, sem1):
    cid = lax.axis_index("c")
    sid = lax.axis_index("s")
    wid = sid * NC + cid

    def zfill(i, _):
        for j in range(D // 16):
            zb_v[i, pl.ds(j * 16, 16)] = jnp.zeros((16,), jnp.float32)
        return 0
    lax.fori_loop(0, ZB, zfill, 0)

    def zcopy(m, _):
        pltpu.sync_copy(zb_v, agg_sh.at[pl.ds(sid * (N_ACC // NS) + m * ZB, ZB)])
        return 0
    lax.fori_loop(0, N_ACC // NS // ZB, zcopy, 0)

    plsc.subcore_barrier()

    rows0 = rows_v.at[0]
    rows1 = rows_v.at[1]
    for s in range(CPW // SPC):
        base = wid * CPW + s * SPC
        pltpu.sync_copy(src_hbm.at[pl.ds(base, SPC)], src_v)
        pltpu.sync_copy(dst_hbm.at[pl.ds(base, SPC)], dst_v)
        pltpu.async_copy(h_hbm.at[src_v.at[0]], rows0, sem)

        def pair(p, _):
            c0 = 2 * p
            pltpu.async_copy(h_hbm.at[src_v.at[c0 + 1]], rows1, sem1)
            pltpu.make_async_copy(h_hbm.at[src_v.at[c0]], rows0, sem).wait()
            pltpu.sync_copy(rows0, agg_sh.at[dst_v.at[c0]], add=True)
            pltpu.async_copy(h_hbm.at[src_v.at[c0 + 2]], rows0, sem)
            pltpu.make_async_copy(h_hbm.at[src_v.at[c0 + 1]], rows1, sem1).wait()
            pltpu.sync_copy(rows1, agg_sh.at[dst_v.at[c0 + 1]], add=True)
            return 0
        lax.fori_loop(0, SPC // 2 - 1, pair, 0)

        cl = SPC - 2
        pltpu.async_copy(h_hbm.at[src_v.at[cl + 1]], rows1, sem1)
        pltpu.make_async_copy(h_hbm.at[src_v.at[cl]], rows0, sem).wait()
        pltpu.sync_copy(rows0, agg_sh.at[dst_v.at[cl]], add=True)
        pltpu.make_async_copy(h_hbm.at[src_v.at[cl + 1]], rows1, sem1).wait()
        pltpu.sync_copy(rows1, agg_sh.at[dst_v.at[cl + 1]], add=True)

    plsc.subcore_barrier()

    @pl.when(sid < NS - 1)
    def _():
        pltpu.sync_copy(
            agg_sh.at[pl.ds(sid * OUT_STRIPE, OUT_STRIPE)],
            out_hbm.at[cid, pl.ds(sid * OUT_STRIPE, OUT_STRIPE)])

    @pl.when(sid == NS - 1)
    def _():
        last = (NS - 1) * OUT_STRIPE
        pltpu.sync_copy(
            agg_sh.at[pl.ds(last, N - last)],
            out_hbm.at[cid, pl.ds(last, N - last)])


@jax.jit
def _seg_sum(h, src2d, dst2d):
    mesh = plsc.VectorSubcoreMesh(core_axis_name="c", subcore_axis_name="s")
    return pl.kernel(
        _seg_sum_body,
        out_type=jax.ShapeDtypeStruct((NC, N, D), jnp.float32),
        mesh=mesh,
        scratch_types=[
            pltpu.VMEM((SPC, CH), jnp.int32),
            pltpu.VMEM((SPC, CH), jnp.int32),
            pltpu.VMEM((2, CH, D), jnp.float32),
            pltpu.VMEM((ZB, D), jnp.float32),
            pltpu.VMEM_SHARED((N_ACC, D), jnp.float32),
            pltpu.SemaphoreType.DMA,
            pltpu.SemaphoreType.DMA,
        ],
    )(h, src2d, dst2d)


def _mlp_body(h_ref, a_ref, wa_ref, ba_ref, wb_ref, bb_ref, o_ref):
    z = h_ref[...] + a_ref[0] + a_ref[1]
    z = jnp.dot(z.astype(jnp.bfloat16), wa_ref[...].astype(jnp.bfloat16),
                preferred_element_type=jnp.float32) + ba_ref[...]
    z = jnp.where(z > 0, z, jnp.exp(z) - 1.0)
    z = jnp.dot(z.astype(jnp.bfloat16), wb_ref[...].astype(jnp.bfloat16),
                preferred_element_type=jnp.float32) + bb_ref[...]
    o_ref[...] = jnp.where(z > 0, z, jnp.exp(z) - 1.0)


_MLP_BLK = 1000


@jax.jit
def _mlp(h, agg, wa, ba, wb, bb):
    return pl.pallas_call(
        _mlp_body,
        grid=(N // _MLP_BLK,),
        in_specs=[
            pl.BlockSpec((_MLP_BLK, D), lambda i: (i, 0)),
            pl.BlockSpec((NC, _MLP_BLK, D), lambda i: (0, i, 0)),
            pl.BlockSpec((D, D), lambda i: (0, 0)),
            pl.BlockSpec((1, D), lambda i: (0, 0)),
            pl.BlockSpec((D, D), lambda i: (0, 0)),
            pl.BlockSpec((1, D), lambda i: (0, 0)),
        ],
        out_specs=pl.BlockSpec((_MLP_BLK, D), lambda i: (i, 0)),
        out_shape=jax.ShapeDtypeStruct((N, D), jnp.float32),
    )(h, agg, wa, ba.reshape(1, D), wb, bb.reshape(1, D))


def _pool_body(h_hbm, batch_hbm, out_hbm, hv, bv, pool_v, tmp_v, acc_v,
               pool_sh, sem):
    cid = lax.axis_index("c")
    sid = lax.axis_index("s")
    wid = sid * NC + cid

    pltpu.sync_copy(h_hbm.at[pl.ds(wid * P_ROWS, P_ROWS)], hv)
    pltpu.sync_copy(batch_hbm.at[pl.ds(wid * P_ROWS, P_ROWS)], bv)

    ninf = jnp.full((16,), -jnp.inf, jnp.float32)

    def pinit(i, _):
        for j in range(D // 16):
            pool_v[i, pl.ds(j * 16, 16)] = ninf
        return 0
    lax.fori_loop(0, G_ACC, pinit, 0)

    def grp(g, _):
        b16 = bv[pl.ds(g * 16, 16)]
        for k in range(16):
            b = b16[k]
            i = g * 16 + k
            for j in range(D // 16):
                s = pl.ds(j * 16, 16)
                pool_v[b, s] = jnp.maximum(pool_v[b, s], hv[i, s])
        return 0
    lax.fori_loop(0, P_ROWS // 16, grp, 0)

    pltpu.sync_copy(pool_v.at[pl.ds(0, G)], pool_sh.at[sid])
    plsc.subcore_barrier()

    def ainit(i, _):
        for j in range(D // 16):
            acc_v[i, pl.ds(j * 16, 16)] = ninf
        return 0
    lax.fori_loop(0, 16, ainit, 0)

    def merge(t, _):
        pltpu.sync_copy(pool_sh.at[t, pl.ds(sid * 16, 16)], tmp_v)

        def mrow(i, _):
            for j in range(D // 16):
                s = pl.ds(j * 16, 16)
                acc_v[i, s] = jnp.maximum(acc_v[i, s], tmp_v[i, s])
            return 0
        lax.fori_loop(0, 16, mrow, 0)
        return 0
    lax.fori_loop(0, NS, merge, 0)

    pltpu.sync_copy(acc_v, out_hbm.at[cid, pl.ds(sid * 16, 16)])


@jax.jit
def _pool(h_pad, batch_pad):
    mesh = plsc.VectorSubcoreMesh(core_axis_name="c", subcore_axis_name="s")
    return pl.kernel(
        _pool_body,
        out_type=jax.ShapeDtypeStruct((NC, G, D), jnp.float32),
        mesh=mesh,
        scratch_types=[
            pltpu.VMEM((P_ROWS, D), jnp.float32),
            pltpu.VMEM((P_ROWS,), jnp.int32),
            pltpu.VMEM((G_ACC, D), jnp.float32),
            pltpu.VMEM((16, D), jnp.float32),
            pltpu.VMEM((16, D), jnp.float32),
            pltpu.VMEM_SHARED((NS, G, D), jnp.float32),
            pltpu.SemaphoreType.DMA,
        ],
    )(h_pad, batch_pad)


def _final_body(p_ref, w_ref, b_ref, o_ref):
    pooled = jnp.maximum(p_ref[0], p_ref[1])
    o_ref[...] = jnp.dot(pooled.astype(jnp.bfloat16),
                         w_ref[...].astype(jnp.bfloat16),
                         preferred_element_type=jnp.float32) + b_ref[...]


@jax.jit
def _final(p, wlin, blin):
    c = wlin.shape[1]
    return pl.pallas_call(
        _final_body,
        out_shape=jax.ShapeDtypeStruct((G, c), jnp.float32),
    )(p, wlin, blin.reshape(1, c))


def kernel(x, edge_index, batch, Wa, ba, Wb, bb, Wlin, blin):
    src = edge_index[0]
    dst = edge_index[1]
    pad = E_PAD - E
    src2d = jnp.concatenate([src, jnp.zeros((pad,), jnp.int32)]).reshape(-1, CH)
    dst2d = jnp.concatenate([dst, jnp.full((pad,), N, jnp.int32)]).reshape(-1, CH)

    h = x
    for i in range(5):
        agg = _seg_sum(h, src2d, dst2d)
        h = _mlp(h, agg, Wa[i], ba[i], Wb[i], bb[i])

    h_pad = jnp.concatenate([h, jnp.zeros((N_POOL_PAD - N, D), jnp.float32)])
    batch_pad = jnp.concatenate(
        [batch, jnp.full((N_POOL_PAD - N,), G, jnp.int32)])
    p = _pool(h_pad, batch_pad)
    return _final(p, Wlin, blin)

# --- scband reference (transcript-rebuilt; emitter-appended) ---
"""Pipeline reference for scband-robust-gnn-83030307766789 (READ-ONLY COPY).

The authoritative reference and input builder live on the scoring server;
editing this copy changes nothing except your own understanding.
"""

import jax, jax.numpy as jnp
import numpy as np

N = 10000
E = 320000
D = 128
H = 128
G = 256
C = 2


def setup_inputs(seed: int = 0) -> dict:
    key = jax.random.key(seed)
    ks = jax.random.split(key, 12)
    x = jax.random.normal(ks[0], (N, D), dtype=jnp.float32)
    edge_index = jax.random.randint(ks[1], (2, E), 0, N, dtype=jnp.int32)
    batch = jnp.sort(jax.random.randint(ks[2], (N,), 0, G, dtype=jnp.int32))
    # GIN conv i uses mlp: Linear(H,H) -> ELU -> Linear(H,H); conv1 in_dim=D=H so stack all 5
    Wa = jax.random.normal(ks[3], (5, H, H), dtype=jnp.float32) * 0.05
    ba = jnp.zeros((5, H), dtype=jnp.float32)
    Wb = jax.random.normal(ks[4], (5, H, H), dtype=jnp.float32) * 0.05
    bb = jnp.zeros((5, H), dtype=jnp.float32)
    Wlin = jax.random.normal(ks[5], (H, C), dtype=jnp.float32) * 0.05
    blin = jnp.zeros((C,), dtype=jnp.float32)
    return {"x": x, "edge_index": edge_index, "batch": batch, "Wa": Wa, "ba": ba, "Wb": Wb, "bb": bb, "Wlin": Wlin, "blin": blin}


def reference(x, edge_index, batch, Wa, ba, Wb, bb, Wlin, blin):
    src = edge_index[0]
    dst = edge_index[1]
    h = x
    for i in range(5):
        # GINConv (eps=0): h' = mlp((1+eps)*h + sum_{j in N(i)} h_j)
        agg = jax.ops.segment_sum(h[src], dst, num_segments=N)
        z = h + agg
        z = z @ Wa[i] + ba[i]
        z = jax.nn.elu(z)
        z = z @ Wb[i] + bb[i]
        h = jax.nn.elu(z)  # F.elu after each conv
    pooled = jax.ops.segment_max(h, batch, num_segments=G)
    return pooled @ Wlin + blin

if __name__ == "__main__":
    import jax
    _d = setup_inputs()
    print(jax.jit(kernel)(*tuple(_d.values())))

</pallas_src>

<mosaic_0001>
#map = affine_map<(d0, d1) -> (0, 0)>
#map1 = affine_map<(d0, d1) -> (0, 0, 0)>
module attributes {stable_mosaic.version = 14 : i64} {
  func.func @_seg_sum_body(%arg0: i32, %arg1: i32, %arg2: memref<10000x128xf32, #tpu.memory_space<hbm>>, %arg3: memref<2560x128xi32, #tpu.memory_space<hbm>>, %arg4: memref<2560x128xi32, #tpu.memory_space<hbm>>, %arg5: memref<2x10000x128xf32, #tpu.memory_space<hbm>>, %arg6: memref<40x128xi32, #tpu.memory_space<vmem>>, %arg7: memref<40x128xi32, #tpu.memory_space<vmem>>, %arg8: memref<2x128x128xf32, #tpu.memory_space<vmem>>, %arg9: memref<32x128xf32, #tpu.memory_space<vmem>>, %arg10: memref<10240x128xf32, #tpu.memory_space<vmem_shared>>, %arg11: memref<!tpu.dma_semaphore, #tpu.memory_space<semaphore_mem>>, %arg12: memref<!tpu.dma_semaphore, #tpu.memory_space<semaphore_mem>>) attributes {dimension_semantics = [#tpu.dimension_semantics<core_parallel>, #tpu.dimension_semantics<subcore_parallel>], iteration_bounds = array<i64: 2, 16>, scalar_prefetch = 0 : i64, scratch_operands = 7 : i64, tpu.core_type = #tpu.core_type<sc_vector_subcore>, window_params = [{transform_indices = #map}, {transform_indices = #map}, {transform_indices = #map}, {transform_indices = #map1}]} {
    %mul3A = arith.constant 2 : i32
    %mul3A_0 = arith.muli %arg1, %mul3A : i32
    %add3A = arith.addi %mul3A_0, %arg0 : i32
    %scan3A = arith.constant 0 : i32
    %scan3A_1 = arith.constant 0 : i32
    %scan3A_2 = arith.constant 32 : i32
    %scan3A_3 = arith.addi %scan3A_1, %scan3A_2 : i32
    %scan3A_4 = arith.constant 1 : i32
    %scan3A_5 = scf.for %scan3A_148 = %scan3A_1 to %scan3A_3 step %scan3A_4 iter_args(%scan3A_149 = %scan3A) -> (i32)  : i32 {
      %broadcast_in_dim3A = arith.constant 0.000000e+00 : f32
      %broadcast_in_dim3A_150 = vector.broadcast %broadcast_in_dim3A : f32 to vector<16xf32>
      %swap3A = arith.index_cast %scan3A_148 : i32 to index
      %swap3A_151 = arith.constant 0 : index
      %swap3A_152 = tpu.vector_load %arg9[%swap3A, %swap3A_151] {strides = array<i32>} : memref<32x128xf32, #tpu.memory_space<vmem>>, vector<1x16xf32>,
      %swap3A_153 = vector.shape_cast %swap3A_152 : vector<1x16xf32> to vector<16xf32>
      %swap3A_154 = vector.shape_cast %broadcast_in_dim3A_150 : vector<16xf32> to vector<1x16xf32>
      tpu.vector_store %arg9[%swap3A, %swap3A_151], %swap3A_154 {strides = array<i32>} : memref<32x128xf32, #tpu.memory_space<vmem>>, vector<1x16xf32>,
      %broadcast_in_dim3A_155 = arith.constant 0.000000e+00 : f32
      %broadcast_in_dim3A_156 = vector.broadcast %broadcast_in_dim3A_155 : f32 to vector<16xf32>
      %swap3A_157 = arith.index_cast %scan3A_148 : i32 to index
      %swap3A_158 = arith.constant 16 : index
      %swap3A_159 = tpu.vector_load %arg9[%swap3A_157, %swap3A_158] {strides = array<i32>} : memref<32x128xf32, #tpu.memory_space<vmem>>, vector<1x16xf32>,
      %swap3A_160 = vector.shape_cast %swap3A_159 : vector<1x16xf32> to vector<16xf32>
      %swap3A_161 = vector.shape_cast %broadcast_in_dim3A_156 : vector<16xf32> to vector<1x16xf32>
      tpu.vector_store %arg9[%swap3A_157, %swap3A_158], %swap3A_161 {strides = array<i32>} : memref<32x128xf32, #tpu.memory_space<vmem>>, vector<1x16xf32>,
      %broadcast_in_dim3A_162 = arith.constant 0.000000e+00 : f32
      %broadcast_in_dim3A_163 = vector.broadcast %broadcast_in_dim3A_162 : f32 to vector<16xf32>
      %swap3A_164 = arith.index_cast %scan3A_148 : i32 to index
      %swap3A_165 = arith.constant 32 : index
      %swap3A_166 = tpu.vector_load %arg9[%swap3A_164, %swap3A_165] {strides = array<i32>} : memref<32x128xf32, #tpu.memory_space<vmem>>, vector<1x16xf32>,
      %swap3A_167 = vector.shape_cast %swap3A_166 : vector<1x16xf32> to vector<16xf32>
      %swap3A_168 = vector.shape_cast %broadcast_in_dim3A_163 : vector<16xf32> to vector<1x16xf32>
      tpu.vector_store %arg9[%swap3A_164, %swap3A_165], %swap3A_168 {strides = array<i32>} : memref<32x128xf32, #tpu.memory_space<vmem>>, vector<1x16xf32>,
      %broadcast_in_dim3A_169 = arith.constant 0.000000e+00 : f32
      %broadcast_in_dim3A_170 = vector.broadcast %broadcast_in_dim3A_169 : f32 to vector<16xf32>
      %swap3A_171 = arith.index_cast %scan3A_148 : i32 to index
      %swap3A_172 = arith.constant 48 : index
      %swap3A_173 = tpu.vector_load %arg9[%swap3A_171, %swap3A_172] {strides = array<i32>} : memref<32x128xf32, #tpu.memory_space<vmem>>, vector<1x16xf32>,
      %swap3A_174 = vector.shape_cast %swap3A_173 : vector<1x16xf32> to vector<16xf32>
      %swap3A_175 = vector.shape_cast %broadcast_in_dim3A_170 : vector<16xf32> to vector<1x16xf32>
      tpu.vector_store %arg9[%swap3A_171, %swap3A_172], %swap3A_175 {strides = array<i32>} : memref<32x128xf32, #tpu.memory_space<vmem>>, vector<1x16xf32>,
      %broadcast_in_dim3A_176 = arith.constant 0.000000e+00 : f32
      %broadcast_in_dim3A_177 = vector.broadcast %broadcast_in_dim3A_176 : f32 to vector<16xf32>
      %swap3A_178 = arith.index_cast %scan3A_148 : i32 to index
      %swap3A_179 = arith.constant 64 : index
      %swap3A_180 = tpu.vector_load %arg9[%swap3A_178, %swap3A_179] {strides = array<i32>} : memref<32x128xf32, #tpu.memory_space<vmem>>, vector<1x16xf32>,
      %swap3A_181 = vector.shape_cast %swap3A_180 : vector<1x16xf32> to vector<16xf32>
      %swap3A_182 = vector.shape_cast %broadcast_in_dim3A_177 : vector<16xf32> to vector<1x16xf32>
      tpu.vector_store %arg9[%swap3A_178, %swap3A_179], %swap3A_182 {strides = array<i32>} : memref<32x128xf32, #tpu.memory_space<vmem>>, vector<1x16xf32>,
      %broadcast_in_dim3A_183 = arith.constant 0.000000e+00 : f32
      %broadcast_in_dim3A_184 = vector.broadcast %broadcast_in_dim3A_183 : f32 to vector<16xf32>
      %swap3A_185 = arith.index_cast %scan3A_148 : i32 to index
      %swap3A_186 = arith.constant 80 : index
      %swap3A_187 = tpu.vector_load %arg9[%swap3A_185, %swap3A_186] {strides = array<i32>} : memref<32x128xf32, #tpu.memory_space<vmem>>, vector<1x16xf32>,
      %swap3A_188 = vector.shape_cast %swap3A_187 : vector<1x16xf32> to vector<16xf32>
      %swap3A_189 = vector.shape_cast %broadcast_in_dim3A_184 : vector<16xf32> to vector<1x16xf32>
      tpu.vector_store %arg9[%swap3A_185, %swap3A_186], %swap3A_189 {strides = array<i32>} : memref<32x128xf32, #tpu.memory_space<vmem>>, vector<1x16xf32>,
      %broadcast_in_dim3A_190 = arith.constant 0.000000e+00 : f32
      %broadcast_in_dim3A_191 = vector.broadcast %broadcast_in_dim3A_190 : f32 to vector<16xf32>
      %swap3A_192 = arith.index_cast %scan3A_148 : i32 to index
      %swap3A_193 = arith.constant 96 : index
      %swap3A_194 = tpu.vector_load %arg9[%swap3A_192, %swap3A_193] {strides = array<i32>} : memref<32x128xf32, #tpu.memory_space<vmem>>, vector<1x16xf32>,
      %swap3A_195 = vector.shape_cast %swap3A_194 : vector<1x16xf32> to vector<16xf32>
      %swap3A_196 = vector.shape_cast %broadcast_in_dim3A_191 : vector<16xf32> to vector<1x16xf32>
      tpu.vector_store %arg9[%swap3A_192, %swap3A_193], %swap3A_196 {strides = array<i32>} : memref<32x128xf32, #tpu.memory_space<vmem>>, vector<1x16xf32>,
      %broadcast_in_dim3A_197 = arith.constant 0.000000e+00 : f32
      %broadcast_in_dim3A_198 = vector.broadcast %broadcast_in_dim3A_197 : f32 to vector<16xf32>
      %swap3A_199 = arith.index_cast %scan3A_148 : i32 to index
      %swap3A_200 = arith.constant 112 : index
      %swap3A_201 = tpu.vector_load %arg9[%swap3A_199, %swap3A_200] {strides = array<i32>} : memref<32x128xf32, #tpu.memory_space<vmem>>, vector<1x16xf32>,
      %swap3A_202 = vector.shape_cast %swap3A_201 : vector<1x16xf32> to vector<16xf32>
      %swap3A_203 = vector.shape_cast %broadcast_in_dim3A_198 : vector<16xf32> to vector<1x16xf32>
      tpu.vector_store %arg9[%swap3A_199, %swap3A_200], %swap3A_203 {strides = array<i32>} : memref<32x128xf32, #tpu.memory_space<vmem>>, vector<1x16xf32>,
      %scan3A_204 = arith.constant 0 : i32
      scf.yield %scan3A_204 : i32
    }
    %scan3A_6 = arith.constant 32 : i32
    %scan3A_7 = arith.constant 0 : i32
    %scan3A_8 = arith.constant 0 : i32
    %scan3A_9 = arith.constant 20 : i32
    %scan3A_10 = arith.addi %scan3A_8, %scan3A_9 : i32
    %scan3A_11 = arith.constant 1 : i32
    %scan3A_12 = scf.for %scan3A_148 = %scan3A_8 to %scan3A_10 step %scan3A_11 iter_args(%scan3A_149 = %scan3A_7) -> (i32)  : i32 {
      %mul3A_150 = arith.constant 640 : i32
      %mul3A_151 = arith.muli %arg1, %mul3A_150 : i32
      %mul3A_152 = arith.constant 32 : i32
      %mul3A_153 = arith.muli %scan3A_148, %mul3A_152 : i32
      %add3A_154 = arith.addi %mul3A_151, %mul3A_153 : i32
      "tpu.region"() ({
        %run_scoped3A_156 = tpu.sem_alloc : memref<!tpu.dma_semaphore, #tpu.memory_space<semaphore_mem>>
        %dma_start3A_157 = arith.constant 0 : i32
        %dma_start3A_158 = tpu.memref_slice %arg10[%add3A_154, %dma_start3A_157] : memref<10240x128xf32, #tpu.memory_space<vmem_shared>> -> memref<32x128xf32, #tpu.memory_space<vmem_shared>>
        %dma_start3A_159 = arith.constant 0 : i32
        %dma_start3A_160 = tpu.memref_slice %arg10[%add3A_154, %dma_start3A_159] : memref<10240x128xf32, #tpu.memory_space<vmem_shared>> -> memref<32x128xf32, #tpu.memory_space<vmem_shared>>
        tpu.enqueue_dma source(%arg9 : memref<32x128xf32, #tpu.memory_space<vmem>>) target(%dma_start3A_160 : memref<32x128xf32, #tpu.memory_space<vmem_shared>>) target_semaphore(%run_scoped3A_156 : memref<!tpu.dma_semaphore, #tpu.memory_space<semaphore_mem>>)
        %dma_wait3A_161 = arith.constant 0 : i32
        %dma_wait3A_162 = tpu.memref_slice %arg10[%add3A_154, %dma_wait3A_161] : memref<10240x128xf32, #tpu.memory_space<vmem_shared>> -> memref<32x128xf32, #tpu.memory_space<vmem_shared>>
        %dma_wait3A_163 = arith.constant 0 : i32
        %dma_wait3A_164 = tpu.memref_slice %arg10[%add3A_154, %dma_wait3A_163] : memref<10240x128xf32, #tpu.memory_space<vmem_shared>> -> memref<32x128xf32, #tpu.memory_space<vmem_shared>>
        tpu.wait_dma2 semaphore(%run_scoped3A_156 : memref<!tpu.dma_semaphore, #tpu.memory_space<semaphore_mem>>) src(%arg9 : memref<32x128xf32, #tpu.memory_space<vmem>>) dst(%dma_wait3A_164 : memref<32x128xf32, #tpu.memory_space<vmem_shared>>)
        tpu.yield
      }) : () -> ()
      %scan3A_155 = arith.constant 0 : i32
      scf.yield %scan3A_155 : i32
    }
    %scan3A_13 = arith.constant 20 : i32
    %barrier3A = arith.constant 0 : index
    tpu.barrier barrier_id(%barrier3A)
    %mul3A_14 = arith.constant 80 : i32
    %mul3A_15 = arith.muli %add3A, %mul3A_14 : i32
    %add3A_16 = arith.constant 0 : i32
    %add3A_17 = arith.addi %mul3A_15, %add3A_16 : i32
    "tpu.region"() ({
      %run_scoped3A_148 = tpu.sem_alloc : memref<!tpu.dma_semaphore, #tpu.memory_space<semaphore_mem>>
      %dma_start3A_149 = arith.constant 0 : i32
      %dma_start3A_150 = tpu.memref_slice %arg3[%add3A_17, %dma_start3A_149] : memref<2560x128xi32, #tpu.memory_space<hbm>> -> memref<40x128xi32, #tpu.memory_space<hbm>>
      %dma_start3A_151 = arith.constant 0 : i32
      %dma_start3A_152 = tpu.memref_slice %arg3[%add3A_17, %dma_start3A_151] : memref<2560x128xi32, #tpu.memory_space<hbm>> -> memref<40x128xi32, #tpu.memory_space<hbm>>
      tpu.enqueue_dma source(%dma_start3A_152 : memref<40x128xi32, #tpu.memory_space<hbm>>) target(%arg6 : memref<40x128xi32, #tpu.memory_space<vmem>>) target_semaphore(%run_scoped3A_148 : memref<!tpu.dma_semaphore, #tpu.memory_space<semaphore_mem>>)
      %dma_wait3A_153 = arith.constant 0 : i32
      %dma_wait3A_154 = tpu.memref_slice %arg3[%add3A_17, %dma_wait3A_153] : memref<2560x128xi32, #tpu.memory_space<hbm>> -> memref<40x128xi32, #tpu.memory_space<hbm>>
      %dma_wait3A_155 = arith.constant 0 : i32
      %dma_wait3A_156 = tpu.memref_slice %arg3[%add3A_17, %dma_wait3A_155] : memref<2560x128xi32, #tpu.memory_space<hbm>> -> memref<40x128xi32, #tpu.memory_space<hbm>>
      tpu.wait_dma2 semaphore(%run_scoped3A_148 : memref<!tpu.dma_semaphore, #tpu.memory_space<semaphore_mem>>) src(%dma_wait3A_156 : memref<40x128xi32, #tpu.memory_space<hbm>>) dst(%arg6 : memref<40x128xi32, #tpu.memory_space<vmem>>)
      tpu.yield
    }) : () -> ()
    "tpu.region"() ({
      %run_scoped3A_148 = tpu.sem_alloc : memref<!tpu.dma_semaphore, #tpu.memory_space<semaphore_mem>>
      %dma_start3A_149 = arith.constant 0 : i32
      %dma_start3A_150 = tpu.memref_slice %arg4[%add3A_17, %dma_start3A_149] : memref<2560x128xi32, #tpu.memory_space<hbm>> -> memref<40x128xi32, #tpu.memory_space<hbm>>
      %dma_start3A_151 = arith.constant 0 : i32
      %dma_start3A_152 = tpu.memref_slice %arg4[%add3A_17, %dma_start3A_151] : memref<2560x128xi32, #tpu.memory_space<hbm>> -> memref<40x128xi32, #tpu.memory_space<hbm>>
      tpu.enqueue_dma source(%dma_start3A_152 : memref<40x128xi32, #tpu.memory_space<hbm>>) target(%arg7 : memref<40x128xi32, #tpu.memory_space<vmem>>) target_semaphore(%run_scoped3A_148 : memref<!tpu.dma_semaphore, #tpu.memory_space<semaphore_mem>>)
      %dma_wait3A_153 = arith.constant 0 : i32
      %dma_wait3A_154 = tpu.memref_slice %arg4[%add3A_17, %dma_wait3A_153] : memref<2560x128xi32, #tpu.memory_space<hbm>> -> memref<40x128xi32, #tpu.memory_space<hbm>>
      %dma_wait3A_155 = arith.constant 0 : i32
      %dma_wait3A_156 = tpu.memref_slice %arg4[%add3A_17, %dma_wait3A_155] : memref<2560x128xi32, #tpu.memory_space<hbm>> -> memref<40x128xi32, #tpu.memory_space<hbm>>
      tpu.wait_dma2 semaphore(%run_scoped3A_148 : memref<!tpu.dma_semaphore, #tpu.memory_space<semaphore_mem>>) src(%dma_wait3A_156 : memref<40x128xi32, #tpu.memory_space<hbm>>) dst(%arg7 : memref<40x128xi32, #tpu.memory_space<vmem>>)
      tpu.yield
    }) : () -> ()
    %dma_start3A = arith.constant 0 : i32
    %dma_start3A_18 = arith.constant 0 : i32
    %dma_start3A_19 = arith.constant 0 : i32
    %dma_start3A_20 = arith.constant 0 : i32
    %dma_start3A_21 = tpu.memref_slice %arg8[%dma_start3A_18, %dma_start3A_19, %dma_start3A_20] : memref<2x128x128xf32, #tpu.memory_space<vmem>> -> memref<1x128x128xf32, #tpu.memory_space<vmem>>
    %dma_start3A_22 = tpu.memref_squeeze %dma_start3A_21 : memref<1x128x128xf32, #tpu.memory_space<vmem>> -> memref<128x128xf32, #tpu.memory_space<vmem>>
    %dma_start3A_23 = arith.constant 0 : i32
    %dma_start3A_24 = tpu.memref_slice %arg6[%dma_start3A, %dma_start3A_23] : memref<40x128xi32, #tpu.memory_space<vmem>> -> memref<1x128xi32, #tpu.memory_space<vmem>>
    %dma_start3A_25 = tpu.memref_squeeze %dma_start3A_24 : memref<1x128xi32, #tpu.memory_space<vmem>> -> memref<128xi32, #tpu.memory_space<vmem>>
    %dma_start3A_26 = arith.constant 0 : i32
    %dma_start3A_27 = arith.constant 0 : i32
    %dma_start3A_28 = tpu.memref_slice %arg2[%dma_start3A_26, %dma_start3A_27] : memref<10000x128xf32, #tpu.memory_space<hbm>> -> memref<10000x128xf32, #tpu.memory_space<hbm>>
    tpu.enqueue_indirect_dma source(%dma_start3A_28 : memref<10000x128xf32, #tpu.memory_space<hbm>>) target(%dma_start3A_22 : memref<128x128xf32, #tpu.memory_space<vmem>>) offsets(%dma_start3A_25 : memref<128xi32, #tpu.memory_space<vmem>>) semaphore(%arg11 : memref<!tpu.dma_semaphore, #tpu.memory_space<semaphore_mem>>)
    %scan3A_29 = arith.constant 1 : i32
    %scan3A_30 = arith.constant 0 : i32
    %scan3A_31 = arith.constant 0 : i32
    %scan3A_32 = arith.constant 0 : i32
    %scan3A_33 = arith.constant 19 : i32
    %scan3A_34 = arith.addi %scan3A_32, %scan3A_33 : i32
    %scan3A_35 = arith.constant 1 : i32
    %scan3A_36 = scf.for %scan3A_148 = %scan3A_32 to %scan3A_34 step %scan3A_35 iter_args(%scan3A_149 = %scan3A_31) -> (i32)  : i32 {
      %mul3A_150 = arith.constant 2 : i32
      %mul3A_151 = arith.muli %mul3A_150, %scan3A_148 : i32
      %add3A_152 = arith.constant 1 : i32
      %add3A_153 = arith.addi %mul3A_151, %add3A_152 : i32
      %dma_start3A_154 = arith.constant 0 : i32
      %dma_start3A_155 = arith.constant 0 : i32
      %dma_start3A_156 = tpu.memref_slice %arg8[%scan3A_29, %dma_start3A_154, %dma_start3A_155] : memref<2x128x128xf32, #tpu.memory_space<vmem>> -> memref<1x128x128xf32, #tpu.memory_space<vmem>>
      %dma_start3A_157 = tpu.memref_squeeze %dma_start3A_156 : memref<1x128x128xf32, #tpu.memory_space<vmem>> -> memref<128x128xf32, #tpu.memory_space<vmem>>
      %dma_start3A_158 = arith.constant 0 : i32
      %dma_start3A_159 = tpu.memref_slice %arg6[%add3A_153, %dma_start3A_158] : memref<40x128xi32, #tpu.memory_space<vmem>> -> memref<1x128xi32, #tpu.memory_space<vmem>>
      %dma_start3A_160 = tpu.memref_squeeze %dma_start3A_159 : memref<1x128xi32, #tpu.memory_space<vmem>> -> memref<128xi32, #tpu.memory_space<vmem>>
      %dma_start3A_161 = arith.constant 0 : i32
      %dma_start3A_162 = arith.constant 0 : i32
      %dma_start3A_163 = tpu.memref_slice %arg2[%dma_start3A_161, %dma_start3A_162] : memref<10000x128xf32, #tpu.memory_space<hbm>> -> memref<10000x128xf32, #tpu.memory_space<hbm>>
      tpu.enqueue_indirect_dma source(%dma_start3A_163 : memref<10000x128xf32, #tpu.memory_space<hbm>>) target(%dma_start3A_157 : memref<128x128xf32, #tpu.memory_space<vmem>>) offsets(%dma_start3A_160 : memref<128xi32, #tpu.memory_space<vmem>>) semaphore(%arg12 : memref<!tpu.dma_semaphore, #tpu.memory_space<semaphore_mem>>)
      %dma_wait3A_164 = arith.constant 0 : i32
      %dma_wait3A_165 = arith.constant 0 : i32
      %dma_wait3A_166 = tpu.memref_slice %arg8[%scan3A_30, %dma_wait3A_164, %dma_wait3A_165] : memref<2x128x128xf32, #tpu.memory_space<vmem>> -> memref<1x128x128xf32, #tpu.memory_space<vmem>>
      %dma_wait3A_167 = tpu.memref_squeeze %dma_wait3A_166 : memref<1x128x128xf32, #tpu.memory_space<vmem>> -> memref<128x128xf32, #tpu.memory_space<vmem>>
      %dma_wait3A_168 = arith.constant 0 : i32
      %dma_wait3A_169 = tpu.memref_slice %arg6[%mul3A_151, %dma_wait3A_168] : memref<40x128xi32, #tpu.memory_space<vmem>> -> memref<1x128xi32, #tpu.memory_space<vmem>>
      %dma_wait3A_170 = tpu.memref_squeeze %dma_wait3A_169 : memref<1x128xi32, #tpu.memory_space<vmem>> -> memref<128xi32, #tpu.memory_space<vmem>>
      %dma_wait3A_171 = arith.constant 0 : i32
      %dma_wait3A_172 = arith.constant 0 : i32
      %dma_wait3A_173 = tpu.memref_slice %arg2[%dma_wait3A_171, %dma_wait3A_172] : memref<10000x128xf32, #tpu.memory_space<hbm>> -> memref<10000x128xf32, #tpu.memory_space<hbm>>
      tpu.wait_indirect_dma semaphore(%arg11 : memref<!tpu.dma_semaphore, #tpu.memory_space<semaphore_mem>>) src(%dma_wait3A_173 : memref<10000x128xf32, #tpu.memory_space<hbm>>) dst(%dma_wait3A_167 : memref<128x128xf32, #tpu.memory_space<vmem>>)
      "tpu.region"() ({
        %run_scoped3A_201 = tpu.sem_alloc : memref<!tpu.dma_semaphore, #tpu.memory_space<semaphore_mem>>
        %dma_start3A_202 = arith.constant 0 : i32
        %dma_start3A_203 = arith.constant 0 : i32
        %dma_start3A_204 = tpu.memref_slice %arg8[%scan3A_30, %dma_start3A_202, %dma_start3A_203] : memref<2x128x128xf32, #tpu.memory_space<vmem>> -> memref<1x128x128xf32, #tpu.memory_space<vmem>>
        %dma_start3A_205 = tpu.memref_squeeze %dma_start3A_204 : memref<1x128x128xf32, #tpu.memory_space<vmem>> -> memref<128x128xf32, #tpu.memory_space<vmem>>
        %dma_start3A_206 = arith.constant 0 : i32
        %dma_start3A_207 = tpu.memref_slice %arg7[%mul3A_151, %dma_start3A_206] : memref<40x128xi32, #tpu.memory_space<vmem>> -> memref<1x128xi32, #tpu.memory_space<vmem>>
        %dma_start3A_208 = tpu.memref_squeeze %dma_start3A_207 : memref<1x128xi32, #tpu.memory_space<vmem>> -> memref<128xi32, #tpu.memory_space<vmem>>
        %dma_start3A_209 = arith.constant 0 : i32
        %dma_start3A_210 = arith.constant 0 : i32
        %dma_start3A_211 = tpu.memref_slice %arg10[%dma_start3A_209, %dma_start3A_210] : memref<10240x128xf32, #tpu.memory_space<vmem_shared>> -> memref<10240x128xf32, #tpu.memory_space<vmem_shared>>
        tpu.enqueue_indirect_dma source(%dma_start3A_205 : memref<128x128xf32, #tpu.memory_space<vmem>>) target(%dma_start3A_211 : memref<10240x128xf32, #tpu.memory_space<vmem_shared>>) offsets(%dma_start3A_208 : memref<128xi32, #tpu.memory_space<vmem>>) semaphore(%run_scoped3A_201 : memref<!tpu.dma_semaphore, #tpu.memory_space<semaphore_mem>>) {add = true}
        %dma_wait3A_212 = arith.constant 0 : i32
        %dma_wait3A_213 = arith.constant 0 : i32
        %dma_wait3A_214 = tpu.memref_slice %arg8[%scan3A_30, %dma_wait3A_212, %dma_wait3A_213] : memref<2x128x128xf32, #tpu.memory_space<vmem>> -> memref<1x128x128xf32, #tpu.memory_space<vmem>>
        %dma_wait3A_215 = tpu.memref_squeeze %dma_wait3A_214 : memref<1x128x128xf32, #tpu.memory_space<vmem>> -> memref<128x128xf32, #tpu.memory_space<vmem>>
        %dma_wait3A_216 = arith.constant 0 : i32
        %dma_wait3A_217 = tpu.memref_slice %arg7[%mul3A_151, %dma_wait3A_216] : memref<40x128xi32, #tpu.memory_space<vmem>> -> memref<1x128xi32, #tpu.memory_space<vmem>>
        %dma_wait3A_218 = tpu.memref_squeeze %dma_wait3A_217 : memref<1x128xi32, #tpu.memory_space<vmem>> -> memref<128xi32, #tpu.memory_space<vmem>>
        %dma_wait3A_219 = arith.constant 0 : i32
        %dma_wait3A_220 = arith.constant 0 : i32
        %dma_wait3A_221 = tpu.memref_slice %arg10[%dma_wait3A_219, %dma_wait3A_220] : memref<10240x128xf32, #tpu.memory_space<vmem_shared>> -> memref<10240x128xf32, #tpu.memory_space<vmem_shared>>
        tpu.wait_indirect_dma semaphore(%run_scoped3A_201 : memref<!tpu.dma_semaphore, #tpu.memory_space<semaphore_mem>>) src(%dma_wait3A_215 : memref<128x128xf32, #tpu.memory_space<vmem>>) dst(%dma_wait3A_221 : memref<10240x128xf32, #tpu.memory_space<vmem_shared>>)
        tpu.yield
      }) : () -> ()
      %add3A_174 = arith.constant 2 : i32
      %add3A_175 = arith.addi %mul3A_151, %add3A_174 : i32
      %dma_start3A_176 = arith.constant 0 : i32
      %dma_start3A_177 = arith.constant 0 : i32
      %dma_start3A_178 = tpu.memref_slice %arg8[%scan3A_30, %dma_start3A_176, %dma_start3A_177] : memref<2x128x128xf32, #tpu.memory_space<vmem>> -> memref<1x128x128xf32, #tpu.memory_space<vmem>>
      %dma_start3A_179 = tpu.memref_squeeze %dma_start3A_178 : memref<1x128x128xf32, #tpu.memory_space<vmem>> -> memref<128x128xf32, #tpu.memory_space<vmem>>
      %dma_start3A_180 = arith.constant 0 : i32
      %dma_start3A_181 = tpu.memref_slice %arg6[%add3A_175, %dma_start3A_180] : memref<40x128xi32, #tpu.memory_space<vmem>> -> memref<1x128xi32, #tpu.memory_space<vmem>>
      %dma_start3A_182 = tpu.memref_squeeze %dma_start3A_181 : memref<1x128xi32, #tpu.memory_space<vmem>> -> memref<128xi32, #tpu.memory_space<vmem>>
      %dma_start3A_183 = arith.constant 0 : i32
      %dma_start3A_184 = arith.constant 0 : i32
      %dma_start3A_185 = tpu.memref_slice %arg2[%dma_start3A_183, %dma_start3A_184] : memref<10000x128xf32, #tpu.memory_space<hbm>> -> memref<10000x128xf32, #tpu.memory_space<hbm>>
      tpu.enqueue_indirect_dma source(%dma_start3A_185 : memref<10000x128xf32, #tpu.memory_space<hbm>>) target(%dma_start3A_179 : memref<128x128xf32, #tpu.memory_space<vmem>>) offsets(%dma_start3A_182 : memref<128xi32, #tpu.memory_space<vmem>>) semaphore(%arg11 : memref<!tpu.dma_semaphore, #tpu.memory_space<semaphore_mem>>)
      %add3A_186 = arith.constant 1 : i32
      %add3A_187 = arith.addi %mul3A_151, %add3A_186 : i32
      %dma_wait3A_188 = arith.constant 0 : i32
      %dma_wait3A_189 = arith.constant 0 : i32
      %dma_wait3A_190 = tpu.memref_slice %arg8[%scan3A_29, %dma_wait3A_188, %dma_wait3A_189] : memref<2x128x128xf32, #tpu.memory_space<vmem>> -> memref<1x128x128xf32, #tpu.memory_space<vmem>>
      %dma_wait3A_191 = tpu.memref_squeeze %dma_wait3A_190 : memref<1x128x128xf32, #tpu.memory_space<vmem>> -> memref<128x128xf32, #tpu.memory_space<vmem>>
      %dma_wait3A_192 = arith.constant 0 : i32
      %dma_wait3A_193 = tpu.memref_slice %arg6[%add3A_187, %dma_wait3A_192] : memref<40x128xi32, #tpu.memory_space<vmem>> -> memref<1x128xi32, #tpu.memory_space<vmem>>
      %dma_wait3A_194 = tpu.memref_squeeze %dma_wait3A_193 : memref<1x128xi32, #tpu.memory_space<vmem>> -> memref<128xi32, #tpu.memory_space<vmem>>
      %dma_wait3A_195 = arith.constant 0 : i32
      %dma_wait3A_196 = arith.constant 0 : i32
      %dma_wait3A_197 = tpu.memref_slice %arg2[%dma_wait3A_195, %dma_wait3A_196] : memref<10000x128xf32, #tpu.memory_space<hbm>> -> memref<10000x128xf32, #tpu.memory_space<hbm>>
      tpu.wait_indirect_dma semaphore(%arg12 : memref<!tpu.dma_semaphore, #tpu.memory_space<semaphore_mem>>) src(%dma_wait3A_197 : memref<10000x128xf32, #tpu.memory_space<hbm>>) dst(%dma_wait3A_191 : memref<128x128xf32, #tpu.memory_space<vmem>>)
      %add3A_198 = arith.constant 1 : i32
      %add3A_199 = arith.addi %mul3A_151, %add3A_198 : i32
      "tpu.region"() ({
        %run_scoped3A_201 = tpu.sem_alloc : memref<!tpu.dma_semaphore, #tpu.memory_space<semaphore_mem>>
        %dma_start3A_202 = arith.constant 0 : i32
        %dma_start3A_203 = arith.constant 0 : i32
        %dma_start3A_204 = tpu.memref_slice %arg8[%scan3A_29, %dma_start3A_202, %dma_start3A_203] : memref<2x128x128xf32, #tpu.memory_space<vmem>> -> memref<1x128x128xf32, #tpu.memory_space<vmem>>
        %dma_start3A_205 = tpu.memref_squeeze %dma_start3A_204 : memref<1x128x128xf32, #tpu.memory_space<vmem>> -> memref<128x128xf32, #tpu.memory_space<vmem>>
        %dma_start3A_206 = arith.constant 0 : i32
        %dma_start3A_207 = tpu.memref_slice %arg7[%add3A_199, %dma_start3A_206] : memref<40x128xi32, #tpu.memory_space<vmem>> -> memref<1x128xi32, #tpu.memory_space<vmem>>
        %dma_start3A_208 = tpu.memref_squeeze %dma_start3A_207 : memref<1x128xi32, #tpu.memory_space<vmem>> -> memref<128xi32, #tpu.memory_space<vmem>>
        %dma_start3A_209 = arith.constant 0 : i32
        %dma_start3A_210 = arith.constant 0 : i32
        %dma_start3A_211 = tpu.memref_slice %arg10[%dma_start3A_209, %dma_start3A_210] : memref<10240x128xf32, #tpu.memory_space<vmem_shared>> -> memref<10240x128xf32, #tpu.memory_space<vmem_shared>>
        tpu.enqueue_indirect_dma source(%dma_start3A_205 : memref<128x128xf32, #tpu.memory_space<vmem>>) target(%dma_start3A_211 : memref<10240x128xf32, #tpu.memory_space<vmem_shared>>) offsets(%dma_start3A_208 : memref<128xi32, #tpu.memory_space<vmem>>) semaphore(%run_scoped3A_201 : memref<!tpu.dma_semaphore, #tpu.memory_space<semaphore_mem>>) {add = true}
        %dma_wait3A_212 = arith.constant 0 : i32
        %dma_wait3A_213 = arith.constant 0 : i32
        %dma_wait3A_214 = tpu.memref_slice %arg8[%scan3A_29, %dma_wait3A_212, %dma_wait3A_213] : memref<2x128x128xf32, #tpu.memory_space<vmem>> -> memref<1x128x128xf32, #tpu.memory_space<vmem>>
        %dma_wait3A_215 = tpu.memref_squeeze %dma_wait3A_214 : memref<1x128x128xf32, #tpu.memory_space<vmem>> -> memref<128x128xf32, #tpu.memory_space<vmem>>
        %dma_wait3A_216 = arith.constant 0 : i32
        %dma_wait3A_217 = tpu.memref_slice %arg7[%add3A_199, %dma_wait3A_216] : memref<40x128xi32, #tpu.memory_space<vmem>> -> memref<1x128xi32, #tpu.memory_space<vmem>>
        %dma_wait3A_218 = tpu.memref_squeeze %dma_wait3A_217 : memref<1x128xi32, #tpu.memory_space<vmem>> -> memref<128xi32, #tpu.memory_space<vmem>>
        %dma_wait3A_219 = arith.constant 0 : i32
        %dma_wait3A_220 = arith.constant 0 : i32
        %dma_wait3A_221 = tpu.memref_slice %arg10[%dma_wait3A_219, %dma_wait3A_220] : memref<10240x128xf32, #tpu.memory_space<vmem_shared>> -> memref<10240x128xf32, #tpu.memory_space<vmem_shared>>
        tpu.wait_indirect_dma semaphore(%run_scoped3A_201 : memref<!tpu.dma_semaphore, #tpu.memory_space<semaphore_mem>>) src(%dma_wait3A_215 : memref<128x128xf32, #tpu.memory_space<vmem>>) dst(%dma_wait3A_221 : memref<10240x128xf32, #tpu.memory_space<vmem_shared>>)
        tpu.yield
      }) : () -> ()
      %scan3A_200 = arith.constant 0 : i32
      scf.yield %scan3A_200 : i32
    }
    %scan3A_37 = arith.constant 19 : i32
    %dma_start3A_38 = arith.constant 39 : i32
    %dma_start3A_39 = arith.constant 1 : i32
    %dma_start3A_40 = arith.constant 0 : i32
    %dma_start3A_41 = arith.constant 0 : i32
    %dma_start3A_42 = tpu.memref_slice %arg8[%dma_start3A_39, %dma_start3A_40, %dma_start3A_41] : memref<2x128x128xf32, #tpu.memory_space<vmem>> -> memref<1x128x128xf32, #tpu.memory_space<vmem>>
    %dma_start3A_43 = tpu.memref_squeeze %dma_start3A_42 : memref<1x128x128xf32, #tpu.memory_space<vmem>> -> memref<128x128xf32, #tpu.memory_space<vmem>>
    %dma_start3A_44 = arith.constant 0 : i32
    %dma_start3A_45 = tpu.memref_slice %arg6[%dma_start3A_38, %dma_start3A_44] : memref<40x128xi32, #tpu.memory_space<vmem>> -> memref<1x128xi32, #tpu.memory_space<vmem>>
    %dma_start3A_46 = tpu.memref_squeeze %dma_start3A_45 : memref<1x128xi32, #tpu.memory_space<vmem>> -> memref<128xi32, #tpu.memory_space<vmem>>
    %dma_start3A_47 = arith.constant 0 : i32
    %dma_start3A_48 = arith.constant 0 : i32
    %dma_start3A_49 = tpu.memref_slice %arg2[%dma_start3A_47, %dma_start3A_48] : memref<10000x128xf32, #tpu.memory_space<hbm>> -> memref<10000x128xf32, #tpu.memory_space<hbm>>
    tpu.enqueue_indirect_dma source(%dma_start3A_49 : memref<10000x128xf32, #tpu.memory_space<hbm>>) target(%dma_start3A_43 : memref<128x128xf32, #tpu.memory_space<vmem>>) offsets(%dma_start3A_46 : memref<128xi32, #tpu.memory_space<vmem>>) semaphore(%arg12 : memref<!tpu.dma_semaphore, #tpu.memory_space<semaphore_mem>>)
    %dma_wait3A = arith.constant 38 : i32
    %dma_wait3A_50 = arith.constant 0 : i32
    %dma_wait3A_51 = arith.constant 0 : i32
    %dma_wait3A_52 = arith.constant 0 : i32
    %dma_wait3A_53 = tpu.memref_slice %arg8[%dma_wait3A_50, %dma_wait3A_51, %dma_wait3A_52] : memref<2x128x128xf32, #tpu.memory_space<vmem>> -> memref<1x128x128xf32, #tpu.memory_space<vmem>>
    %dma_wait3A_54 = tpu.memref_squeeze %dma_wait3A_53 : memref<1x128x128xf32, #tpu.memory_space<vmem>> -> memref<128x128xf32, #tpu.memory_space<vmem>>
    %dma_wait3A_55 = arith.constant 0 : i32
    %dma_wait3A_56 = tpu.memref_slice %arg6[%dma_wait3A, %dma_wait3A_55] : memref<40x128xi32, #tpu.memory_space<vmem>> -> memref<1x128xi32, #tpu.memory_space<vmem>>
    %dma_wait3A_57 = tpu.memref_squeeze %dma_wait3A_56 : memref<1x128xi32, #tpu.memory_space<vmem>> -> memref<128xi32, #tpu.memory_space<vmem>>
    %dma_wait3A_58 = arith.constant 0 : i32
    %dma_wait3A_59 = arith.constant 0 : i32
    %dma_wait3A_60 = tpu.memref_slice %arg2[%dma_wait3A_58, %dma_wait3A_59] : memref<10000x128xf32, #tpu.memory_space<hbm>> -> memref<10000x128xf32, #tpu.memory_space<hbm>>
    tpu.wait_indirect_dma semaphore(%arg11 : memref<!tpu.dma_semaphore, #tpu.memory_space<semaphore_mem>>) src(%dma_wait3A_60 : memref<10000x128xf32, #tpu.memory_space<hbm>>) dst(%dma_wait3A_54 : memref<128x128xf32, #tpu.memory_space<vmem>>)
    %run_scoped3A = arith.constant 0 : i32
    %run_scoped3A_61 = arith.constant 38 : i32
    "tpu.region"() ({
      %run_scoped3A_148 = tpu.sem_alloc : memref<!tpu.dma_semaphore, #tpu.memory_space<semaphore_mem>>
      %dma_start3A_149 = arith.constant 0 : i32
      %dma_start3A_150 = arith.constant 0 : i32
      %dma_start3A_151 = tpu.memref_slice %arg8[%run_scoped3A, %dma_start3A_149, %dma_start3A_150] : memref<2x128x128xf32, #tpu.memory_space<vmem>> -> memref<1x128x128xf32, #tpu.memory_space<vmem>>
      %dma_start3A_152 = tpu.memref_squeeze %dma_start3A_151 : memref<1x128x128xf32, #tpu.memory_space<vmem>> -> memref<128x128xf32, #tpu.memory_space<vmem>>
      %dma_start3A_153 = arith.constant 0 : i32
      %dma_start3A_154 = tpu.memref_slice %arg7[%run_scoped3A_61, %dma_start3A_153] : memref<40x128xi32, #tpu.memory_space<vmem>> -> memref<1x128xi32, #tpu.memory_space<vmem>>
      %dma_start3A_155 = tpu.memref_squeeze %dma_start3A_154 : memref<1x128xi32, #tpu.memory_space<vmem>> -> memref<128xi32, #tpu.memory_space<vmem>>
      %dma_start3A_156 = arith.constant 0 : i32
      %dma_start3A_157 = arith.constant 0 : i32
      %dma_start3A_158 = tpu.memref_slice %arg10[%dma_start3A_156, %dma_start3A_157] : memref<10240x128xf32, #tpu.memory_space<vmem_shared>> -> memref<10240x128xf32, #tpu.memory_space<vmem_shared>>
      tpu.enqueue_indirect_dma source(%dma_start3A_152 : memref<128x128xf32, #tpu.memory_space<vmem>>) target(%dma_start3A_158 : memref<10240x128xf32, #tpu.memory_space<vmem_shared>>) offsets(%dma_start3A_155 : memref<128xi32, #tpu.memory_space<vmem>>) semaphore(%run_scoped3A_148 : memref<!tpu.dma_semaphore, #tpu.memory_space<semaphore_mem>>) {add = true}
      %dma_wait3A_159 = arith.constant 0 : i32
      %dma_wait3A_160 = arith.constant 0 : i32
      %dma_wait3A_161 = tpu.memref_slice %arg8[%run_scoped3A, %dma_wait3A_159, %dma_wait3A_160] : memref<2x128x128xf32, #tpu.memory_space<vmem>> -> memref<1x128x128xf32, #tpu.memory_space<vmem>>
      %dma_wait3A_162 = tpu.memref_squeeze %dma_wait3A_161 : memref<1x128x128xf32, #tpu.memory_space<vmem>> -> memref<128x128xf32, #tpu.memory_space<vmem>>
      %dma_wait3A_163 = arith.constant 0 : i32
      %dma_wait3A_164 = tpu.memref_slice %arg7[%run_scoped3A_61, %dma_wait3A_163] : memref<40x128xi32, #tpu.memory_space<vmem>> -> memref<1x128xi32, #tpu.memory_space<vmem>>
      %dma_wait3A_165 = tpu.memref_squeeze %dma_wait3A_164 : memref<1x128xi32, #tpu.memory_space<vmem>> -> memref<128xi32, #tpu.memory_space<vmem>>
      %dma_wait3A_166 = arith.constant 0 : i32
      %dma_wait3A_167 = arith.constant 0 : i32
      %dma_wait3A_168 = tpu.memref_slice %arg10[%dma_wait3A_166, %dma_wait3A_167] : memref<10240x128xf32, #tpu.memory_space<vmem_shared>> -> memref<10240x128xf32, #tpu.memory_space<vmem_shared>>
      tpu.wait_indirect_dma semaphore(%run_scoped3A_148 : memref<!tpu.dma_semaphore, #tpu.memory_space<semaphore_mem>>) src(%dma_wait3A_162 : memref<128x128xf32, #tpu.memory_space<vmem>>) dst(%dma_wait3A_168 : memref<10240x128xf32, #tpu.memory_space<vmem_shared>>)
      tpu.yield
    }) : () -> ()
    %dma_wait3A_62 = arith.constant 39 : i32
    %dma_wait3A_63 = arith.constant 1 : i32
    %dma_wait3A_64 = arith.constant 0 : i32
    %dma_wait3A_65 = arith.constant 0 : i32
    %dma_wait3A_66 = tpu.memref_slice %arg8[%dma_wait3A_63, %dma_wait3A_64, %dma_wait3A_65] : memref<2x128x128xf32, #tpu.memory_space<vmem>> -> memref<1x128x128xf32, #tpu.memory_space<vmem>>
    %dma_wait3A_67 = tpu.memref_squeeze %dma_wait3A_66 : memref<1x128x128xf32, #tpu.memory_space<vmem>> -> memref<128x128xf32, #tpu.memory_space<vmem>>
    %dma_wait3A_68 = arith.constant 0 : i32
    %dma_wait3A_69 = tpu.memref_slice %arg6[%dma_wait3A_62, %dma_wait3A_68] : memref<40x128xi32, #tpu.memory_space<vmem>> -> memref<1x128xi32, #tpu.memory_space<vmem>>
    %dma_wait3A_70 = tpu.memref_squeeze %dma_wait3A_69 : memref<1x128xi32, #tpu.memory_space<vmem>> -> memref<128xi32, #tpu.memory_space<vmem>>
    %dma_wait3A_71 = arith.constant 0 : i32
    %dma_wait3A_72 = arith.constant 0 : i32
    %dma_wait3A_73 = tpu.memref_slice %arg2[%dma_wait3A_71, %dma_wait3A_72] : memref<10000x128xf32, #tpu.memory_space<hbm>> -> memref<10000x128xf32, #tpu.memory_space<hbm>>
    tpu.wait_indirect_dma semaphore(%arg12 : memref<!tpu.dma_semaphore, #tpu.memory_space<semaphore_mem>>) src(%dma_wait3A_73 : memref<10000x128xf32, #tpu.memory_space<hbm>>) dst(%dma_wait3A_67 : memref<128x128xf32, #tpu.memory_space<vmem>>)
    %run_scoped3A_74 = arith.constant 1 : i32
    %run_scoped3A_75 = arith.constant 39 : i32
    "tpu.region"() ({
      %run_scoped3A_148 = tpu.sem_alloc : memref<!tpu.dma_semaphore, #tpu.memory_space<semaphore_mem>>
      %dma_start3A_149 = arith.constant 0 : i32
      %dma_start3A_150 = arith.constant 0 : i32
      %dma_start3A_151 = tpu.memref_slice %arg8[%run_scoped3A_74, %dma_start3A_149, %dma_start3A_150] : memref<2x128x128xf32, #tpu.memory_space<vmem>> -> memref<1x128x128xf32, #tpu.memory_space<vmem>>
      %dma_start3A_152 = tpu.memref_squeeze %dma_start3A_151 : memref<1x128x128xf32, #tpu.memory_space<vmem>> -> memref<128x128xf32, #tpu.memory_space<vmem>>
      %dma_start3A_153 = arith.constant 0 : i32
      %dma_start3A_154 = tpu.memref_slice %arg7[%run_scoped3A_75, %dma_start3A_153] : memref<40x128xi32, #tpu.memory_space<vmem>> -> memref<1x128xi32, #tpu.memory_space<vmem>>
      %dma_start3A_155 = tpu.memref_squeeze %dma_start3A_154 : memref<1x128xi32, #tpu.memory_space<vmem>> -> memref<128xi32, #tpu.memory_space<vmem>>
      %dma_start3A_156 = arith.constant 0 : i32
      %dma_start3A_157 = arith.constant 0 : i32
      %dma_start3A_158 = tpu.memref_slice %arg10[%dma_start3A_156, %dma_start3A_157] : memref<10240x128xf32, #tpu.memory_space<vmem_shared>> -> memref<10240x128xf32, #tpu.memory_space<vmem_shared>>
      tpu.enqueue_indirect_dma source(%dma_start3A_152 : memref<128x128xf32, #tpu.memory_space<vmem>>) target(%dma_start3A_158 : memref<10240x128xf32, #tpu.memory_space<vmem_shared>>) offsets(%dma_start3A_155 : memref<128xi32, #tpu.memory_space<vmem>>) semaphore(%run_scoped3A_148 : memref<!tpu.dma_semaphore, #tpu.memory_space<semaphore_mem>>) {add = true}
      %dma_wait3A_159 = arith.constant 0 : i32
      %dma_wait3A_160 = arith.constant 0 : i32
      %dma_wait3A_161 = tpu.memref_slice %arg8[%run_scoped3A_74, %dma_wait3A_159, %dma_wait3A_160] : memref<2x128x128xf32, #tpu.memory_space<vmem>> -> memref<1x128x128xf32, #tpu.memory_space<vmem>>
      %dma_wait3A_162 = tpu.memref_squeeze %dma_wait3A_161 : memref<1x128x128xf32, #tpu.memory_space<vmem>> -> memref<128x128xf32, #tpu.memory_space<vmem>>
      %dma_wait3A_163 = arith.constant 0 : i32
      %dma_wait3A_164 = tpu.memref_slice %arg7[%run_scoped3A_75, %dma_wait3A_163] : memref<40x128xi32, #tpu.memory_space<vmem>> -> memref<1x128xi32, #tpu.memory_space<vmem>>
      %dma_wait3A_165 = tpu.memref_squeeze %dma_wait3A_164 : memref<1x128xi32, #tpu.memory_space<vmem>> -> memref<128xi32, #tpu.memory_space<vmem>>
      %dma_wait3A_166 = arith.constant 0 : i32
      %dma_wait3A_167 = arith.constant 0 : i32
      %dma_wait3A_168 = tpu.memref_slice %arg10[%dma_wait3A_166, %dma_wait3A_167] : memref<10240x128xf32, #tpu.memory_space<vmem_shared>> -> memref<10240x128xf32, #tpu.memory_space<vmem_shared>>
      tpu.wait_indirect_dma semaphore(%run_scoped3A_148 : memref<!tpu.dma_semaphore, #tpu.memory_space<semaphore_mem>>) src(%dma_wait3A_162 : memref<128x128xf32, #tpu.memory_space<vmem>>) dst(%dma_wait3A_168 : memref<10240x128xf32, #tpu.memory_space<vmem_shared>>)
      tpu.yield
    }) : () -> ()
    %mul3A_76 = arith.constant 80 : i32
    %mul3A_77 = arith.muli %add3A, %mul3A_76 : i32
    %add3A_78 = arith.constant 40 : i32
    %add3A_79 = arith.addi %mul3A_77, %add3A_78 : i32
    "tpu.region"() ({
      %run_scoped3A_148 = tpu.sem_alloc : memref<!tpu.dma_semaphore, #tpu.memory_space<semaphore_mem>>
      %dma_start3A_149 = arith.constant 0 : i32
      %dma_start3A_150 = tpu.memref_slice %arg3[%add3A_79, %dma_start3A_149] : memref<2560x128xi32, #tpu.memory_space<hbm>> -> memref<40x128xi32, #tpu.memory_space<hbm>>
      %dma_start3A_151 = arith.constant 0 : i32
      %dma_start3A_152 = tpu.memref_slice %arg3[%add3A_79, %dma_start3A_151] : memref<2560x128xi32, #tpu.memory_space<hbm>> -> memref<40x128xi32, #tpu.memory_space<hbm>>
      tpu.enqueue_dma source(%dma_start3A_152 : memref<40x128xi32, #tpu.memory_space<hbm>>) target(%arg6 : memref<40x128xi32, #tpu.memory_space<vmem>>) target_semaphore(%run_scoped3A_148 : memref<!tpu.dma_semaphore, #tpu.memory_space<semaphore_mem>>)
      %dma_wait3A_153 = arith.constant 0 : i32
      %dma_wait3A_154 = tpu.memref_slice %arg3[%add3A_79, %dma_wait3A_153] : memref<2560x128xi32, #tpu.memory_space<hbm>> -> memref<40x128xi32, #tpu.memory_space<hbm>>
      %dma_wait3A_155 = arith.constant 0 : i32
      %dma_wait3A_156 = tpu.memref_slice %arg3[%add3A_79, %dma_wait3A_155] : memref<2560x128xi32, #tpu.memory_space<hbm>> -> memref<40x128xi32, #tpu.memory_space<hbm>>
      tpu.wait_dma2 semaphore(%run_scoped3A_148 : memref<!tpu.dma_semaphore, #tpu.memory_space<semaphore_mem>>) src(%dma_wait3A_156 : memref<40x128xi32, #tpu.memory_space<hbm>>) dst(%arg6 : memref<40x128xi32, #tpu.memory_space<vmem>>)
      tpu.yield
    }) : () -> ()
    "tpu.region"() ({
      %run_scoped3A_148 = tpu.sem_alloc : memref<!tpu.dma_semaphore, #tpu.memory_space<semaphore_mem>>
      %dma_start3A_149 = arith.constant 0 : i32
      %dma_start3A_150 = tpu.memref_slice %arg4[%add3A_79, %dma_start3A_149] : memref<2560x128xi32, #tpu.memory_space<hbm>> -> memref<40x128xi32, #tpu.memory_space<hbm>>
      %dma_start3A_151 = arith.constant 0 : i32
      %dma_start3A_152 = tpu.memref_slice %arg4[%add3A_79, %dma_start3A_151] : memref<2560x128xi32, #tpu.memory_space<hbm>> -> memref<40x128xi32, #tpu.memory_space<hbm>>
      tpu.enqueue_dma source(%dma_start3A_152 : memref<40x128xi32, #tpu.memory_space<hbm>>) target(%arg7 : memref<40x128xi32, #tpu.memory_space<vmem>>) target_semaphore(%run_scoped3A_148 : memref<!tpu.dma_semaphore, #tpu.memory_space<semaphore_mem>>)
      %dma_wait3A_153 = arith.constant 0 : i32
      %dma_wait3A_154 = tpu.memref_slice %arg4[%add3A_79, %dma_wait3A_153] : memref<2560x128xi32, #tpu.memory_space<hbm>> -> memref<40x128xi32, #tpu.memory_space<hbm>>
      %dma_wait3A_155 = arith.constant 0 : i32
      %dma_wait3A_156 = tpu.memref_slice %arg4[%add3A_79, %dma_wait3A_155] : memref<2560x128xi32, #tpu.memory_space<hbm>> -> memref<40x128xi32, #tpu.memory_space<hbm>>
      tpu.wait_dma2 semaphore(%run_scoped3A_148 : memref<!tpu.dma_semaphore, #tpu.memory_space<semaphore_mem>>) src(%dma_wait3A_156 : memref<40x128xi32, #tpu.memory_space<hbm>>) dst(%arg7 : memref<40x128xi32, #tpu.memory_space<vmem>>)
      tpu.yield
    }) : () -> ()
    %dma_start3A_80 = arith.constant 0 : i32
    %dma_start3A_81 = arith.constant 0 : i32
    %dma_start3A_82 = arith.constant 0 : i32
    %dma_start3A_83 = arith.constant 0 : i32
    %dma_start3A_84 = tpu.memref_slice %arg8[%dma_start3A_81, %dma_start3A_82, %dma_start3A_83] : memref<2x128x128xf32, #tpu.memory_space<vmem>> -> memref<1x128x128xf32, #tpu.memory_space<vmem>>
    %dma_start3A_85 = tpu.memref_squeeze %dma_start3A_84 : memref<1x128x128xf32, #tpu.memory_space<vmem>> -> memref<128x128xf32, #tpu.memory_space<vmem>>
    %dma_start3A_86 = arith.constant 0 : i32
    %dma_start3A_87 = tpu.memref_slice %arg6[%dma_start3A_80, %dma_start3A_86] : memref<40x128xi32, #tpu.memory_space<vmem>> -> memref<1x128xi32, #tpu.memory_space<vmem>>
    %dma_start3A_88 = tpu.memref_squeeze %dma_start3A_87 : memref<1x128xi32, #tpu.memory_space<vmem>> -> memref<128xi32, #tpu.memory_space<vmem>>
    %dma_start3A_89 = arith.constant 0 : i32
    %dma_start3A_90 = arith.constant 0 : i32
    %dma_start3A_91 = tpu.memref_slice %arg2[%dma_start3A_89, %dma_start3A_90] : memref<10000x128xf32, #tpu.memory_space<hbm>> -> memref<10000x128xf32, #tpu.memory_space<hbm>>
    tpu.enqueue_indirect_dma source(%dma_start3A_91 : memref<10000x128xf32, #tpu.memory_space<hbm>>) target(%dma_start3A_85 : memref<128x128xf32, #tpu.memory_space<vmem>>) offsets(%dma_start3A_88 : memref<128xi32, #tpu.memory_space<vmem>>) semaphore(%arg11 : memref<!tpu.dma_semaphore, #tpu.memory_space<semaphore_mem>>)
    %scan3A_92 = arith.constant 1 : i32
    %scan3A_93 = arith.constant 0 : i32
    %scan3A_94 = arith.constant 0 : i32
    %scan3A_95 = arith.constant 0 : i32
    %scan3A_96 = arith.constant 19 : i32
    %scan3A_97 = arith.addi %scan3A_95, %scan3A_96 : i32
    %scan3A_98 = arith.constant 1 : i32
    %scan3A_99 = scf.for %scan3A_148 = %scan3A_95 to %scan3A_97 step %scan3A_98 iter_args(%scan3A_149 = %scan3A_94) -> (i32)  : i32 {
      %mul3A_150 = arith.constant 2 : i32
      %mul3A_151 = arith.muli %mul3A_150, %scan3A_148 : i32
      %add3A_152 = arith.constant 1 : i32
      %add3A_153 = arith.addi %mul3A_151, %add3A_152 : i32
      %dma_start3A_154 = arith.constant 0 : i32
      %dma_start3A_155 = arith.constant 0 : i32
      %dma_start3A_156 = tpu.memref_slice %arg8[%scan3A_92, %dma_start3A_154, %dma_start3A_155] : memref<2x128x128xf32, #tpu.memory_space<vmem>> -> memref<1x128x128xf32, #tpu.memory_space<vmem>>
      %dma_start3A_157 = tpu.memref_squeeze %dma_start3A_156 : memref<1x128x128xf32, #tpu.memory_space<vmem>> -> memref<128x128xf32, #tpu.memory_space<vmem>>
      %dma_start3A_158 = arith.constant 0 : i32
      %dma_start3A_159 = tpu.memref_slice %arg6[%add3A_153, %dma_start3A_158] : memref<40x128xi32, #tpu.memory_space<vmem>> -> memref<1x128xi32, #tpu.memory_space<vmem>>
      %dma_start3A_160 = tpu.memref_squeeze %dma_start3A_159 : memref<1x128xi32, #tpu.memory_space<vmem>> -> memref<128xi32, #tpu.memory_space<vmem>>
      %dma_start3A_161 = arith.constant 0 : i32
      %dma_start3A_162 = arith.constant 0 : i32
      %dma_start3A_163 = tpu.memref_slice %arg2[%dma_start3A_161, %dma_start3A_162] : memref<10000x128xf32, #tpu.memory_space<hbm>> -> memref<10000x128xf32, #tpu.memory_space<hbm>>
      tpu.enqueue_indirect_dma source(%dma_start3A_163 : memref<10000x128xf32, #tpu.memory_space<hbm>>) target(%dma_start3A_157 : memref<128x128xf32, #tpu.memory_space<vmem>>) offsets(%dma_start3A_160 : memref<128xi32, #tpu.memory_space<vmem>>) semaphore(%arg12 : memref<!tpu.dma_semaphore, #tpu.memory_space<semaphore_mem>>)
      %dma_wait3A_164 = arith.constant 0 : i32
      %dma_wait3A_165 = arith.constant 0 : i32
      %dma_wait3A_166 = tpu.memref_slice %arg8[%scan3A_93, %dma_wait3A_164, %dma_wait3A_165] : memref<2x128x128xf32, #tpu.memory_space<vmem>> -> memref<1x128x128xf32, #tpu.memory_space<vmem>>
      %dma_wait3A_167 = tpu.memref_squeeze %dma_wait3A_166 : memref<1x128x128xf32, #tpu.memory_space<vmem>> -> memref<128x128xf32, #tpu.memory_space<vmem>>
      %dma_wait3A_168 = arith.constant 0 : i32
      %dma_wait3A_169 = tpu.memref_slice %arg6[%mul3A_151, %dma_wait3A_168] : memref<40x128xi32, #tpu.memory_space<vmem>> -> memref<1x128xi32, #tpu.memory_space<vmem>>
      %dma_wait3A_170 = tpu.memref_squeeze %dma_wait3A_169 : memref<1x128xi32, #tpu.memory_space<vmem>> -> memref<128xi32, #tpu.memory_space<vmem>>
      %dma_wait3A_171 = arith.constant 0 : i32
      %dma_wait3A_172 = arith.constant 0 : i32
      %dma_wait3A_173 = tpu.memref_slice %arg2[%dma_wait3A_171, %dma_wait3A_172] : memref<10000x128xf32, #tpu.memory_space<hbm>> -> memref<10000x128xf32, #tpu.memory_space<hbm>>
      tpu.wait_indirect_dma semaphore(%arg11 : memref<!tpu.dma_semaphore, #tpu.memory_space<semaphore_mem>>) src(%dma_wait3A_173 : memref<10000x128xf32, #tpu.memory_space<hbm>>) dst(%dma_wait3A_167 : memref<128x128xf32, #tpu.memory_space<vmem>>)
      "tpu.region"() ({
        %run_scoped3A_201 = tpu.sem_alloc : memref<!tpu.dma_semaphore, #tpu.memory_space<semaphore_mem>>
        %dma_start3A_202 = arith.constant 0 : i32
        %dma_start3A_203 = arith.constant 0 : i32
        %dma_start3A_204 = tpu.memref_slice %arg8[%scan3A_93, %dma_start3A_202, %dma_start3A_203] : memref<2x128x128xf32, #tpu.memory_space<vmem>> -> memref<1x128x128xf32, #tpu.memory_space<vmem>>
        %dma_start3A_205 = tpu.memref_squeeze %dma_start3A_204 : memref<1x128x128xf32, #tpu.memory_space<vmem>> -> memref<128x128xf32, #tpu.memory_space<vmem>>
        %dma_start3A_206 = arith.constant 0 : i32
        %dma_start3A_207 = tpu.memref_slice %arg7[%mul3A_151, %dma_start3A_206] : memref<40x128xi32, #tpu.memory_space<vmem>> -> memref<1x128xi32, #tpu.memory_space<vmem>>
        %dma_start3A_208 = tpu.memref_squeeze %dma_start3A_207 : memref<1x128xi32, #tpu.memory_space<vmem>> -> memref<128xi32, #tpu.memory_space<vmem>>
        %dma_start3A_209 = arith.constant 0 : i32
        %dma_start3A_210 = arith.constant 0 : i32
        %dma_start3A_211 = tpu.memref_slice %arg10[%dma_start3A_209, %dma_start3A_210] : memref<10240x128xf32, #tpu.memory_space<vmem_shared>> -> memref<10240x128xf32, #tpu.memory_space<vmem_shared>>
        tpu.enqueue_indirect_dma source(%dma_start3A_205 : memref<128x128xf32, #tpu.memory_space<vmem>>) target(%dma_start3A_211 : memref<10240x128xf32, #tpu.memory_space<vmem_shared>>) offsets(%dma_start3A_208 : memref<128xi32, #tpu.memory_space<vmem>>) semaphore(%run_scoped3A_201 : memref<!tpu.dma_semaphore, #tpu.memory_space<semaphore_mem>>) {add = true}
        %dma_wait3A_212 = arith.constant 0 : i32
        %dma_wait3A_213 = arith.constant 0 : i32
        %dma_wait3A_214 = tpu.memref_slice %arg8[%scan3A_93, %dma_wait3A_212, %dma_wait3A_213] : memref<2x128x128xf32, #tpu.memory_space<vmem>> -> memref<1x128x128xf32, #tpu.memory_space<vmem>>
        %dma_wait3A_215 = tpu.memref_squeeze %dma_wait3A_214 : memref<1x128x128xf32, #tpu.memory_space<vmem>> -> memref<128x128xf32, #tpu.memory_space<vmem>>
        %dma_wait3A_216 = arith.constant 0 : i32
        %dma_wait3A_217 = tpu.memref_slice %arg7[%mul3A_151, %dma_wait3A_216] : memref<40x128xi32, #tpu.memory_space<vmem>> -> memref<1x128xi32, #tpu.memory_space<vmem>>
        %dma_wait3A_218 = tpu.memref_squeeze %dma_wait3A_217 : memref<1x128xi32, #tpu.memory_space<vmem>> -> memref<128xi32, #tpu.memory_space<vmem>>
        %dma_wait3A_219 = arith.constant 0 : i32
        %dma_wait3A_220 = arith.constant 0 : i32
        %dma_wait3A_221 = tpu.memref_slice %arg10[%dma_wait3A_219, %dma_wait3A_220] : memref<10240x128xf32, #tpu.memory_space<vmem_shared>> -> memref<10240x128xf32, #tpu.memory_space<vmem_shared>>
        tpu.wait_indirect_dma semaphore(%run_scoped3A_201 : memref<!tpu.dma_semaphore, #tpu.memory_space<semaphore_mem>>) src(%dma_wait3A_215 : memref<128x128xf32, #tpu.memory_space<vmem>>) dst(%dma_wait3A_221 : memref<10240x128xf32, #tpu.memory_space<vmem_shared>>)
        tpu.yield
      }) : () -> ()
      %add3A_174 = arith.constant 2 : i32
      %add3A_175 = arith.addi %mul3A_151, %add3A_174 : i32
      %dma_start3A_176 = arith.constant 0 : i32
      %dma_start3A_177 = arith.constant 0 : i32
      %dma_start3A_178 = tpu.memref_slice %arg8[%scan3A_93, %dma_start3A_176, %dma_start3A_177] : memref<2x128x128xf32, #tpu.memory_space<vmem>> -> memref<1x128x128xf32, #tpu.memory_space<vmem>>
      %dma_start3A_179 = tpu.memref_squeeze %dma_start3A_178 : memref<1x128x128xf32, #tpu.memory_space<vmem>> -> memref<128x128xf32, #tpu.memory_space<vmem>>
      %dma_start3A_180 = arith.constant 0 : i32
      %dma_start3A_181 = tpu.memref_slice %arg6[%add3A_175, %dma_start3A_180] : memref<40x128xi32, #tpu.memory_space<vmem>> -> memref<1x128xi32, #tpu.memory_space<vmem>>
      %dma_start3A_182 = tpu.memref_squeeze %dma_start3A_181 : memref<1x128xi32, #tpu.memory_space<vmem>> -> memref<128xi32, #tpu.memory_space<vmem>>
      %dma_start3A_183 = arith.constant 0 : i32
      %dma_start3A_184 = arith.constant 0 : i32
      %dma_start3A_185 = tpu.memref_slice %arg2[%dma_start3A_183, %dma_start3A_184] : memref<10000x128xf32, #tpu.memory_space<hbm>> -> memref<10000x128xf32, #tpu.memory_space<hbm>>
      tpu.enqueue_indirect_dma source(%dma_start3A_185 : memref<10000x128xf32, #tpu.memory_space<hbm>>) target(%dma_start3A_179 : memref<128x128xf32, #tpu.memory_space<vmem>>) offsets(%dma_start3A_182 : memref<128xi32, #tpu.memory_space<vmem>>) semaphore(%arg11 : memref<!tpu.dma_semaphore, #tpu.memory_space<semaphore_mem>>)
      %add3A_186 = arith.constant 1 : i32
      %add3A_187 = arith.addi %mul3A_151, %add3A_186 : i32
      %dma_wait3A_188 = arith.constant 0 : i32
      %dma_wait3A_189 = arith.constant 0 : i32
      %dma_wait3A_190 = tpu.memref_slice %arg8[%scan3A_92, %dma_wait3A_188, %dma_wait3A_189] : memref<2x128x128xf32, #tpu.memory_space<vmem>> -> memref<1x128x128xf32, #tpu.memory_space<vmem>>
      %dma_wait3A_191 = tpu.memref_squeeze %dma_wait3A_190 : memref<1x128x128xf32, #tpu.memory_space<vmem>> -> memref<128x128xf32, #tpu.memory_space<vmem>>
      %dma_wait3A_192 = arith.constant 0 : i32
      %dma_wait3A_193 = tpu.memref_slice %arg6[%add3A_187, %dma_wait3A_192] : memref<40x128xi32, #tpu.memory_space<vmem>> -> memref<1x128xi32, #tpu.memory_space<vmem>>
      %dma_wait3A_194 = tpu.memref_squeeze %dma_wait3A_193 : memref<1x128xi32, #tpu.memory_space<vmem>> -> memref<128xi32, #tpu.memory_space<vmem>>
      %dma_wait3A_195 = arith.constant 0 : i32
      %dma_wait3A_196 = arith.constant 0 : i32
      %dma_wait3A_197 = tpu.memref_slice %arg2[%dma_wait3A_195, %dma_wait3A_196] : memref<10000x128xf32, #tpu.memory_space<hbm>> -> memref<10000x128xf32, #tpu.memory_space<hbm>>
      tpu.wait_indirect_dma semaphore(%arg12 : memref<!tpu.dma_semaphore, #tpu.memory_space<semaphore_mem>>) src(%dma_wait3A_197 : memref<10000x128xf32, #tpu.memory_space<hbm>>) dst(%dma_wait3A_191 : memref<128x128xf32, #tpu.memory_space<vmem>>)
      %add3A_198 = arith.constant 1 : i32
      %add3A_199 = arith.addi %mul3A_151, %add3A_198 : i32
      "tpu.region"() ({
        %run_scoped3A_201 = tpu.sem_alloc : memref<!tpu.dma_semaphore, #tpu.memory_space<semaphore_mem>>
        %dma_start3A_202 = arith.constant 0 : i32
        %dma_start3A_203 = arith.constant 0 : i32
        %dma_start3A_204 = tpu.memref_slice %arg8[%scan3A_92, %dma_start3A_202, %dma_start3A_203] : memref<2x128x128xf32, #tpu.memory_space<vmem>> -> memref<1x128x128xf32, #tpu.memory_space<vmem>>
        %dma_start3A_205 = tpu.memref_squeeze %dma_start3A_204 : memref<1x128x128xf32, #tpu.memory_space<vmem>> -> memref<128x128xf32, #tpu.memory_space<vmem>>
        %dma_start3A_206 = arith.constant 0 : i32
        %dma_start3A_207 = tpu.memref_slice %arg7[%add3A_199, %dma_start3A_206] : memref<40x128xi32, #tpu.memory_space<vmem>> -> memref<1x128xi32, #tpu.memory_space<vmem>>
        %dma_start3A_208 = tpu.memref_squeeze %dma_start3A_207 : memref<1x128xi32, #tpu.memory_space<vmem>> -> memref<128xi32, #tpu.memory_space<vmem>>
        %dma_start3A_209 = arith.constant 0 : i32
        %dma_start3A_210 = arith.constant 0 : i32
        %dma_start3A_211 = tpu.memref_slice %arg10[%dma_start3A_209, %dma_start3A_210] : memref<10240x128xf32, #tpu.memory_space<vmem_shared>> -> memref<10240x128xf32, #tpu.memory_space<vmem_shared>>
        tpu.enqueue_indirect_dma source(%dma_start3A_205 : memref<128x128xf32, #tpu.memory_space<vmem>>) target(%dma_start3A_211 : memref<10240x128xf32, #tpu.memory_space<vmem_shared>>) offsets(%dma_start3A_208 : memref<128xi32, #tpu.memory_space<vmem>>) semaphore(%run_scoped3A_201 : memref<!tpu.dma_semaphore, #tpu.memory_space<semaphore_mem>>) {add = true}
        %dma_wait3A_212 = arith.constant 0 : i32
        %dma_wait3A_213 = arith.constant 0 : i32
        %dma_wait3A_214 = tpu.memref_slice %arg8[%scan3A_92, %dma_wait3A_212, %dma_wait3A_213] : memref<2x128x128xf32, #tpu.memory_space<vmem>> -> memref<1x128x128xf32, #tpu.memory_space<vmem>>
        %dma_wait3A_215 = tpu.memref_squeeze %dma_wait3A_214 : memref<1x128x128xf32, #tpu.memory_space<vmem>> -> memref<128x128xf32, #tpu.memory_space<vmem>>
        %dma_wait3A_216 = arith.constant 0 : i32
        %dma_wait3A_217 = tpu.memref_slice %arg7[%add3A_199, %dma_wait3A_216] : memref<40x128xi32, #tpu.memory_space<vmem>> -> memref<1x128xi32, #tpu.memory_space<vmem>>
        %dma_wait3A_218 = tpu.memref_squeeze %dma_wait3A_217 : memref<1x128xi32, #tpu.memory_space<vmem>> -> memref<128xi32, #tpu.memory_space<vmem>>
        %dma_wait3A_219 = arith.constant 0 : i32
        %dma_wait3A_220 = arith.constant 0 : i32
        %dma_wait3A_221 = tpu.memref_slice %arg10[%dma_wait3A_219, %dma_wait3A_220] : memref<10240x128xf32, #tpu.memory_space<vmem_shared>> -> memref<10240x128xf32, #tpu.memory_space<vmem_shared>>
        tpu.wait_indirect_dma semaphore(%run_scoped3A_201 : memref<!tpu.dma_semaphore, #tpu.memory_space<semaphore_mem>>) src(%dma_wait3A_215 : memref<128x128xf32, #tpu.memory_space<vmem>>) dst(%dma_wait3A_221 : memref<10240x128xf32, #tpu.memory_space<vmem_shared>>)
        tpu.yield
      }) : () -> ()
      %scan3A_200 = arith.constant 0 : i32
      scf.yield %scan3A_200 : i32
    }
    %scan3A_100 = arith.constant 19 : i32
    %dma_start3A_101 = arith.constant 39 : i32
    %dma_start3A_102 = arith.constant 1 : i32
    %dma_start3A_103 = arith.constant 0 : i32
    %dma_start3A_104 = arith.constant 0 : i32
    %dma_start3A_105 = tpu.memref_slice %arg8[%dma_start3A_102, %dma_start3A_103, %dma_start3A_104] : memref<2x128x128xf32, #tpu.memory_space<vmem>> -> memref<1x128x128xf32, #tpu.memory_space<vmem>>
    %dma_start3A_106 = tpu.memref_squeeze %dma_start3A_105 : memref<1x128x128xf32, #tpu.memory_space<vmem>> -> memref<128x128xf32, #tpu.memory_space<vmem>>
    %dma_start3A_107 = arith.constant 0 : i32
    %dma_start3A_108 = tpu.memref_slice %arg6[%dma_start3A_101, %dma_start3A_107] : memref<40x128xi32, #tpu.memory_space<vmem>> -> memref<1x128xi32, #tpu.memory_space<vmem>>
    %dma_start3A_109 = tpu.memref_squeeze %dma_start3A_108 : memref<1x128xi32, #tpu.memory_space<vmem>> -> memref<128xi32, #tpu.memory_space<vmem>>
    %dma_start3A_110 = arith.constant 0 : i32
    %dma_start3A_111 = arith.constant 0 : i32
    %dma_start3A_112 = tpu.memref_slice %arg2[%dma_start3A_110, %dma_start3A_111] : memref<10000x128xf32, #tpu.memory_space<hbm>> -> memref<10000x128xf32, #tpu.memory_space<hbm>>
    tpu.enqueue_indirect_dma source(%dma_start3A_112 : memref<10000x128xf32, #tpu.memory_space<hbm>>) target(%dma_start3A_106 : memref<128x128xf32, #tpu.memory_space<vmem>>) offsets(%dma_start3A_109 : memref<128xi32, #tpu.memory_space<vmem>>) semaphore(%arg12 : memref<!tpu.dma_semaphore, #tpu.memory_space<semaphore_mem>>)
    %dma_wait3A_113 = arith.constant 38 : i32
    %dma_wait3A_114 = arith.constant 0 : i32
    %dma_wait3A_115 = arith.constant 0 : i32
    %dma_wait3A_116 = arith.constant 0 : i32
    %dma_wait3A_117 = tpu.memref_slice %arg8[%dma_wait3A_114, %dma_wait3A_115, %dma_wait3A_116] : memref<2x128x128xf32, #tpu.memory_space<vmem>> -> memref<1x128x128xf32, #tpu.memory_space<vmem>>
    %dma_wait3A_118 = tpu.memref_squeeze %dma_wait3A_117 : memref<1x128x128xf32, #tpu.memory_space<vmem>> -> memref<128x128xf32, #tpu.memory_space<vmem>>
    %dma_wait3A_119 = arith.constant 0 : i32
    %dma_wait3A_120 = tpu.memref_slice %arg6[%dma_wait3A_113, %dma_wait3A_119] : memref<40x128xi32, #tpu.memory_space<vmem>> -> memref<1x128xi32, #tpu.memory_space<vmem>>
    %dma_wait3A_121 = tpu.memref_squeeze %dma_wait3A_120 : memref<1x128xi32, #tpu.memory_space<vmem>> -> memref<128xi32, #tpu.memory_space<vmem>>
    %dma_wait3A_122 = arith.constant 0 : i32
    %dma_wait3A_123 = arith.constant 0 : i32
    %dma_wait3A_124 = tpu.memref_slice %arg2[%dma_wait3A_122, %dma_wait3A_123] : memref<10000x128xf32, #tpu.memory_space<hbm>> -> memref<10000x128xf32, #tpu.memory_space<hbm>>
    tpu.wait_indirect_dma semaphore(%arg11 : memref<!tpu.dma_semaphore, #tpu.memory_space<semaphore_mem>>) src(%dma_wait3A_124 : memref<10000x128xf32, #tpu.memory_space<hbm>>) dst(%dma_wait3A_118 : memref<128x128xf32, #tpu.memory_space<vmem>>)
    %run_scoped3A_125 = arith.constant 0 : i32
    %run_scoped3A_126 = arith.constant 38 : i32
    "tpu.region"() ({
      %run_scoped3A_148 = tpu.sem_alloc : memref<!tpu.dma_semaphore, #tpu.memory_space<semaphore_mem>>
      %dma_start3A_149 = arith.constant 0 : i32
      %dma_start3A_150 = arith.constant 0 : i32
      %dma_start3A_151 = tpu.memref_slice %arg8[%run_scoped3A_125, %dma_start3A_149, %dma_start3A_150] : memref<2x128x128xf32, #tpu.memory_space<vmem>> -> memref<1x128x128xf32, #tpu.memory_space<vmem>>
      %dma_start3A_152 = tpu.memref_squeeze %dma_start3A_151 : memref<1x128x128xf32, #tpu.memory_space<vmem>> -> memref<128x128xf32, #tpu.memory_space<vmem>>
      %dma_start3A_153 = arith.constant 0 : i32
      %dma_start3A_154 = tpu.memref_slice %arg7[%run_scoped3A_126, %dma_start3A_153] : memref<40x128xi32, #tpu.memory_space<vmem>> -> memref<1x128xi32, #tpu.memory_space<vmem>>
      %dma_start3A_155 = tpu.memref_squeeze %dma_start3A_154 : memref<1x128xi32, #tpu.memory_space<vmem>> -> memref<128xi32, #tpu.memory_space<vmem>>
      %dma_start3A_156 = arith.constant 0 : i32
      %dma_start3A_157 = arith.constant 0 : i32
      %dma_start3A_158 = tpu.memref_slice %arg10[%dma_start3A_156, %dma_start3A_157] : memref<10240x128xf32, #tpu.memory_space<vmem_shared>> -> memref<10240x128xf32, #tpu.memory_space<vmem_shared>>
      tpu.enqueue_indirect_dma source(%dma_start3A_152 : memref<128x128xf32, #tpu.memory_space<vmem>>) target(%dma_start3A_158 : memref<10240x128xf32, #tpu.memory_space<vmem_shared>>) offsets(%dma_start3A_155 : memref<128xi32, #tpu.memory_space<vmem>>) semaphore(%run_scoped3A_148 : memref<!tpu.dma_semaphore, #tpu.memory_space<semaphore_mem>>) {add = true}
      %dma_wait3A_159 = arith.constant 0 : i32
      %dma_wait3A_160 = arith.constant 0 : i32
      %dma_wait3A_161 = tpu.memref_slice %arg8[%run_scoped3A_125, %dma_wait3A_159, %dma_wait3A_160] : memref<2x128x128xf32, #tpu.memory_space<vmem>> -> memref<1x128x128xf32, #tpu.memory_space<vmem>>
      %dma_wait3A_162 = tpu.memref_squeeze %dma_wait3A_161 : memref<1x128x128xf32, #tpu.memory_space<vmem>> -> memref<128x128xf32, #tpu.memory_space<vmem>>
      %dma_wait3A_163 = arith.constant 0 : i32
      %dma_wait3A_164 = tpu.memref_slice %arg7[%run_scoped3A_126, %dma_wait3A_163] : memref<40x128xi32, #tpu.memory_space<vmem>> -> memref<1x128xi32, #tpu.memory_space<vmem>>
      %dma_wait3A_165 = tpu.memref_squeeze %dma_wait3A_164 : memref<1x128xi32, #tpu.memory_space<vmem>> -> memref<128xi32, #tpu.memory_space<vmem>>
      %dma_wait3A_166 = arith.constant 0 : i32
      %dma_wait3A_167 = arith.constant 0 : i32
      %dma_wait3A_168 = tpu.memref_slice %arg10[%dma_wait3A_166, %dma_wait3A_167] : memref<10240x128xf32, #tpu.memory_space<vmem_shared>> -> memref<10240x128xf32, #tpu.memory_space<vmem_shared>>
      tpu.wait_indirect_dma semaphore(%run_scoped3A_148 : memref<!tpu.dma_semaphore, #tpu.memory_space<semaphore_mem>>) src(%dma_wait3A_162 : memref<128x128xf32, #tpu.memory_space<vmem>>) dst(%dma_wait3A_168 : memref<10240x128xf32, #tpu.memory_space<vmem_shared>>)
      tpu.yield
    }) : () -> ()
    %dma_wait3A_127 = arith.constant 39 : i32
    %dma_wait3A_128 = arith.constant 1 : i32
    %dma_wait3A_129 = arith.constant 0 : i32
    %dma_wait3A_130 = arith.constant 0 : i32
    %dma_wait3A_131 = tpu.memref_slice %arg8[%dma_wait3A_128, %dma_wait3A_129, %dma_wait3A_130] : memref<2x128x128xf32, #tpu.memory_space<vmem>> -> memref<1x128x128xf32, #tpu.memory_space<vmem>>
    %dma_wait3A_132 = tpu.memref_squeeze %dma_wait3A_131 : memref<1x128x128xf32, #tpu.memory_space<vmem>> -> memref<128x128xf32, #tpu.memory_space<vmem>>
    %dma_wait3A_133 = arith.constant 0 : i32
    %dma_wait3A_134 = tpu.memref_slice %arg6[%dma_wait3A_127, %dma_wait3A_133] : memref<40x128xi32, #tpu.memory_space<vmem>> -> memref<1x128xi32, #tpu.memory_space<vmem>>
    %dma_wait3A_135 = tpu.memref_squeeze %dma_wait3A_134 : memref<1x128xi32, #tpu.memory_space<vmem>> -> memref<128xi32, #tpu.memory_space<vmem>>
    %dma_wait3A_136 = arith.constant 0 : i32
    %dma_wait3A_137 = arith.constant 0 : i32
    %dma_wait3A_138 = tpu.memref_slice %arg2[%dma_wait3A_136, %dma_wait3A_137] : memref<10000x128xf32, #tpu.memory_space<hbm>> -> memref<10000x128xf32, #tpu.memory_space<hbm>>
    tpu.wait_indirect_dma semaphore(%arg12 : memref<!tpu.dma_semaphore, #tpu.memory_space<semaphore_mem>>) src(%dma_wait3A_138 : memref<10000x128xf32, #tpu.memory_space<hbm>>) dst(%dma_wait3A_132 : memref<128x128xf32, #tpu.memory_space<vmem>>)
    %run_scoped3A_139 = arith.constant 1 : i32
    %run_scoped3A_140 = arith.constant 39 : i32
    "tpu.region"() ({
      %run_scoped3A_148 = tpu.sem_alloc : memref<!tpu.dma_semaphore, #tpu.memory_space<semaphore_mem>>
      %dma_start3A_149 = arith.constant 0 : i32
      %dma_start3A_150 = arith.constant 0 : i32
      %dma_start3A_151 = tpu.memref_slice %arg8[%run_scoped3A_139, %dma_start3A_149, %dma_start3A_150] : memref<2x128x128xf32, #tpu.memory_space<vmem>> -> memref<1x128x128xf32, #tpu.memory_space<vmem>>
      %dma_start3A_152 = tpu.memref_squeeze %dma_start3A_151 : memref<1x128x128xf32, #tpu.memory_space<vmem>> -> memref<128x128xf32, #tpu.memory_space<vmem>>
      %dma_start3A_153 = arith.constant 0 : i32
      %dma_start3A_154 = tpu.memref_slice %arg7[%run_scoped3A_140, %dma_start3A_153] : memref<40x128xi32, #tpu.memory_space<vmem>> -> memref<1x128xi32, #tpu.memory_space<vmem>>
      %dma_start3A_155 = tpu.memref_squeeze %dma_start3A_154 : memref<1x128xi32, #tpu.memory_space<vmem>> -> memref<128xi32, #tpu.memory_space<vmem>>
      %dma_start3A_156 = arith.constant 0 : i32
      %dma_start3A_157 = arith.constant 0 : i32
      %dma_start3A_158 = tpu.memref_slice %arg10[%dma_start3A_156, %dma_start3A_157] : memref<10240x128xf32, #tpu.memory_space<vmem_shared>> -> memref<10240x128xf32, #tpu.memory_space<vmem_shared>>
      tpu.enqueue_indirect_dma source(%dma_start3A_152 : memref<128x128xf32, #tpu.memory_space<vmem>>) target(%dma_start3A_158 : memref<10240x128xf32, #tpu.memory_space<vmem_shared>>) offsets(%dma_start3A_155 : memref<128xi32, #tpu.memory_space<vmem>>) semaphore(%run_scoped3A_148 : memref<!tpu.dma_semaphore, #tpu.memory_space<semaphore_mem>>) {add = true}
      %dma_wait3A_159 = arith.constant 0 : i32
      %dma_wait3A_160 = arith.constant 0 : i32
      %dma_wait3A_161 = tpu.memref_slice %arg8[%run_scoped3A_139, %dma_wait3A_159, %dma_wait3A_160] : memref<2x128x128xf32, #tpu.memory_space<vmem>> -> memref<1x128x128xf32, #tpu.memory_space<vmem>>
      %dma_wait3A_162 = tpu.memref_squeeze %dma_wait3A_161 : memref<1x128x128xf32, #tpu.memory_space<vmem>> -> memref<128x128xf32, #tpu.memory_space<vmem>>
      %dma_wait3A_163 = arith.constant 0 : i32
      %dma_wait3A_164 = tpu.memref_slice %arg7[%run_scoped3A_140, %dma_wait3A_163] : memref<40x128xi32, #tpu.memory_space<vmem>> -> memref<1x128xi32, #tpu.memory_space<vmem>>
      %dma_wait3A_165 = tpu.memref_squeeze %dma_wait3A_164 : memref<1x128xi32, #tpu.memory_space<vmem>> -> memref<128xi32, #tpu.memory_space<vmem>>
      %dma_wait3A_166 = arith.constant 0 : i32
      %dma_wait3A_167 = arith.constant 0 : i32
      %dma_wait3A_168 = tpu.memref_slice %arg10[%dma_wait3A_166, %dma_wait3A_167] : memref<10240x128xf32, #tpu.memory_space<vmem_shared>> -> memref<10240x128xf32, #tpu.memory_space<vmem_shared>>
      tpu.wait_indirect_dma semaphore(%run_scoped3A_148 : memref<!tpu.dma_semaphore, #tpu.memory_space<semaphore_mem>>) src(%dma_wait3A_162 : memref<128x128xf32, #tpu.memory_space<vmem>>) dst(%dma_wait3A_168 : memref<10240x128xf32, #tpu.memory_space<vmem_shared>>)
      tpu.yield
    }) : () -> ()
    %barrier3A_141 = arith.constant 0 : index
    tpu.barrier barrier_id(%barrier3A_141)
    %lt3A = arith.constant 15 : i32
    %lt3A_142 = arith.cmpi slt, %arg1, %lt3A : i32
    %convert_element_type3A = arith.extui %lt3A_142 : i1 to i32
    %cond3A = arith.constant 0 : i32
    %cond3A_143 = arith.cmpi ne, %convert_element_type3A, %cond3A : i32
    scf.if %cond3A_143 {
      %mul3A_148 = arith.constant 624 : i32
      %mul3A_149 = arith.muli %arg1, %mul3A_148 : i32
      %mul3A_150 = arith.constant 624 : i32
      %mul3A_151 = arith.muli %arg1, %mul3A_150 : i32
      "tpu.region"() ({
        %run_scoped3A_152 = tpu.sem_alloc : memref<!tpu.dma_semaphore, #tpu.memory_space<semaphore_mem>>
        %dma_start3A_153 = arith.constant 0 : i32
        %dma_start3A_154 = tpu.memref_slice %arg5[%arg0, %mul3A_151, %dma_start3A_153] : memref<2x10000x128xf32, #tpu.memory_space<hbm>> -> memref<1x624x128xf32, #tpu.memory_space<hbm>>
        %dma_start3A_155 = tpu.memref_squeeze %dma_start3A_154 : memref<1x624x128xf32, #tpu.memory_space<hbm>> -> memref<624x128xf32, #tpu.memory_space<hbm>>
        %dma_start3A_156 = arith.constant 0 : i32
        %dma_start3A_157 = tpu.memref_slice %arg10[%mul3A_149, %dma_start3A_156] : memref<10240x128xf32, #tpu.memory_space<vmem_shared>> -> memref<624x128xf32, #tpu.memory_space<vmem_shared>>
        tpu.enqueue_dma source(%dma_start3A_157 : memref<624x128xf32, #tpu.memory_space<vmem_shared>>) target(%dma_start3A_155 : memref<624x128xf32, #tpu.memory_space<hbm>>) target_semaphore(%run_scoped3A_152 : memref<!tpu.dma_semaphore, #tpu.memory_space<semaphore_mem>>)
        %dma_wait3A_158 = arith.constant 0 : i32
        %dma_wait3A_159 = tpu.memref_slice %arg5[%arg0, %mul3A_151, %dma_wait3A_158] : memref<2x10000x128xf32, #tpu.memory_space<hbm>> -> memref<1x624x128xf32, #tpu.memory_space<hbm>>
        %dma_wait3A_160 = tpu.memref_squeeze %dma_wait3A_159 : memref<1x624x128xf32, #tpu.memory_space<hbm>> -> memref<624x128xf32, #tpu.memory_space<hbm>>
        %dma_wait3A_161 = arith.constant 0 : i32
        %dma_wait3A_162 = tpu.memref_slice %arg10[%mul3A_149, %dma_wait3A_161] : memref<10240x128xf32, #tpu.memory_space<vmem_shared>> -> memref<624x128xf32, #tpu.memory_space<vmem_shared>>
        tpu.wait_dma2 semaphore(%run_scoped3A_152 : memref<!tpu.dma_semaphore, #tpu.memory_space<semaphore_mem>>) src(%dma_wait3A_162 : memref<624x128xf32, #tpu.memory_space<vmem_shared>>) dst(%dma_wait3A_160 : memref<624x128xf32, #tpu.memory_space<hbm>>)
        tpu.yield
      }) : () -> ()
    } else {
    }
    %eq3A = arith.constant 15 : i32
    %eq3A_144 = arith.cmpi eq, %arg1, %eq3A : i32
    %convert_element_type3A_145 = arith.extui %eq3A_144 : i1 to i32
    %cond3A_146 = arith.constant 0 : i32
    %cond3A_147 = arith.cmpi ne, %convert_element_type3A_145, %cond3A_146 : i32
    scf.if %cond3A_147 {
      "tpu.region"() ({
        %run_scoped3A_148 = tpu.sem_alloc : memref<!tpu.dma_semaphore, #tpu.memory_space<semaphore_mem>>
        %dma_start3A_149 = arith.constant 9360 : i32
        %dma_start3A_150 = arith.constant 0 : i32
        %dma_start3A_151 = tpu.memref_slice %arg5[%arg0, %dma_start3A_149, %dma_start3A_150] : memref<2x10000x128xf32, #tpu.memory_space<hbm>> -> memref<1x640x128xf32, #tpu.memory_space<hbm>>
        %dma_start3A_152 = tpu.memref_squeeze %dma_start3A_151 : memref<1x640x128xf32, #tpu.memory_space<hbm>> -> memref<640x128xf32, #tpu.memory_space<hbm>>
        %dma_start3A_153 = arith.constant 9360 : i32
        %dma_start3A_154 = arith.constant 0 : i32
        %dma_start3A_155 = tpu.memref_slice %arg10[%dma_start3A_153, %dma_start3A_154] : memref<10240x128xf32, #tpu.memory_space<vmem_shared>> -> memref<640x128xf32, #tpu.memory_space<vmem_shared>>
        tpu.enqueue_dma source(%dma_start3A_155 : memref<640x128xf32, #tpu.memory_space<vmem_shared>>) target(%dma_start3A_152 : memref<640x128xf32, #tpu.memory_space<hbm>>) target_semaphore(%run_scoped3A_148 : memref<!tpu.dma_semaphore, #tpu.memory_space<semaphore_mem>>)
        %dma_wait3A_156 = arith.constant 9360 : i32
        %dma_wait3A_157 = arith.constant 0 : i32
        %dma_wait3A_158 = tpu.memref_slice %arg5[%arg0, %dma_wait3A_156, %dma_wait3A_157] : memref<2x10000x128xf32, #tpu.memory_space<hbm>> -> memref<1x640x128xf32, #tpu.memory_space<hbm>>
        %dma_wait3A_159 = tpu.memref_squeeze %dma_wait3A_158 : memref<1x640x128xf32, #tpu.memory_space<hbm>> -> memref<640x128xf32, #tpu.memory_space<hbm>>
        %dma_wait3A_160 = arith.constant 9360 : i32
        %dma_wait3A_161 = arith.constant 0 : i32
        %dma_wait3A_162 = tpu.memref_slice %arg10[%dma_wait3A_160, %dma_wait3A_161] : memref<10240x128xf32, #tpu.memory_space<vmem_shared>> -> memref<640x128xf32, #tpu.memory_space<vmem_shared>>
        tpu.wait_dma2 semaphore(%run_scoped3A_148 : memref<!tpu.dma_semaphore, #tpu.memory_space<semaphore_mem>>) src(%dma_wait3A_162 : memref<640x128xf32, #tpu.memory_space<vmem_shared>>) dst(%dma_wait3A_159 : memref<640x128xf32, #tpu.memory_space<hbm>>)
        tpu.yield
      }) : () -> ()
    } else {
    }
    return
  }
}

</mosaic_0001>

<sc_bundles>
// kernel: _seg_sum.3.cloned.1.call-start
scs
__scs_entry_jumppad:
0x0: {  	(pc) =	sbr.rel $0x88, $3  }
0x1: {  	(tag) =	ssettag $0x0;
	lr =	simm.s32 $0x1  }
0x2: {  	[smem:$0x3F9E] =	sst lr;
	_ =	strace $0xD0000000  }
0x3: {  	_ = 	snop  }
0x4: {  	_ = 	snop  }
0x5: {  	_ = 	snop  }
0x6: {  	_ = 	snop  }
0x7: {  	_ = 	snop  }
__scs_overlays_trampoline_lowered:
0x8: {  	[smem:$0x3FAD] =	sst s0  }
0x9: {  	[smem:$0x3FAE] =	sst s1  }
0xa: {  	[smem:$0x3FAF] =	sst s2  }
0xb: {  	[smem:$0x3FB0] =	sst s3  }
0xc: {  	[smem:$0x3FB1] =	sst s4  }
0xd: {  	[smem:$0x3FB2] =	sst s5  }
0xe: {  	[smem:$0x3FB3] =	sst s6  }
0xf: {  	[smem:$0x3FB4] =	sst s7  }
0x10: {  	[smem:$0x3FB5] =	sst s8  }
0x11: {  	[smem:$0x3FB6] =	sst s9;
	s0 =	simm.s32 @!p0 $0x0  }
0x12: {  	s1 =	sld [smem:$0x3F9C];
	s0 =	simm.s32 @p0 $0x1  }
0x13: {  	[smem:$0x3FB7] =	sst s0;
	s0 =	simm.s32 @!p1 $0x0  }
0x14: {  	s2 =	sld [smem:$0x3F9B];
	s0 =	simm.s32 @p1 $0x1  }
0x15: {  	[smem:$0x3FB8] =	sst s0;
	s0 =	simm.s32 @!p2 $0x0  }
0x16: {  	s3 =	sld [smem:$0x3FDB];
	s0 =	simm.s32 @p2 $0x1  }
0x17: {  	s4 =	simm.s32 $0x1BF5;
	[smem:$0x3FBA] =	sst s0  }
0x18: {  	s0 =	sld [smem:$0x3F9D];
	_ =	swait.ge [sflag:s4], $0x0  }
0x19: {  	s7 =	sld [smem:$0x3F9E]  }
0x1a: {  	s8 =	sadd.s32 $0xFFFFE003, lr  }
0x1b: {  	s9 =	sadd.s32 $0xFFFFFEF7, lr;
	s5 =	simm.s32 $0xFFFFFFFF;
	p2 =	slt.u32 s8, $0xFFFFF086  }
0x1c: {  	p1 =	slt.u32 s9, $0xF7A;
	s5 =	simm.s32 @!p2 $0x0  }
0x1d: {  	s5 =	simm.s32 @p1 $0x1;
	p0 =	seq.s32 s7, s2  }
0x1e: {  	s7 =	smul.u32 @!p0 $0xF7A, s2;
	p2 =	seq.s32 @!p0 s5, $0x0  }
0x1f: {  	s9 =	smul.u32 $0xF7A, s1;
	s8 =	simm.s32 @!p0 $0x1BF5;
	p2 =	por !p2, p0  }
0x20: {  	[sflag:s8] =	ssyncset.s32 @!p0 $0xFFFFF086;
	s6 =	sadd.s32 @!p0 s3, s7;
	s7 =	simm.s32 @!p0 $0x108  }
0x21: {  	s3 =	sadd.s32 s3, s9;
	s6 =	sadd.s32 @!p0 $0x88, s6;
	s7 =	simm.s32 @p2 $0x1082  }
0x22: {  	[simem:s7], [sflag:s8] =	dma.local @!p0 [hbm:s6], $0xF7A  }
0x23: {  	s9 =	sor.u32 $0xD0000000, s2;
	s6 =	simm.s32 $0x108;
	_ =	swait.ge @!p0 [sflag:s8], $0x0  }
0x24: {  	s3 =	sadd.s32 $0x88, s3;
	s6 =	simm.s32 @!p1 $0x1082;
	[sflag:s4] =	ssyncset.s32 $0xFFFFF086  }
0x25: {  	[simem:s6], [sflag:s4] =	dma.local [hbm:s3], $0xF7A  }
0x26: {  	[smem:$0x3F9E] =	sst s1;
	(tag) =	ssettag s2;
	_ =	strace s9  }
0x27: {  	s1 =	sld [smem:$0x3FAE]  }
0x28: {  	s2 =	sld [smem:$0x3FAF]  }
0x29: {  	s4 =	sld [smem:$0x3FB1]  }
0x2a: {  	p0 =	seq.s32 s5, $0x0;
	s5 =	sld [smem:$0x3FB2]  }
0x2b: {  	s6 =	sld [smem:$0x3FB3]  }
0x2c: {  	s7 =	sld [smem:$0x3FB4]  }
0x2d: {  	s3 =	simm.s32 $0x108;
	s8 =	sld [smem:$0x3FB5]  }
0x2e: {  	s3 =	simm.s32 @!p0 $0x1082;
	s9 =	sld [smem:$0x3FB6]  }
0x2f: {  	lr =	sadd.s32 s0, s3;
	s0 =	sld [smem:$0x3FAD]  }
0x30: {  	s3 =	sld [smem:$0x3FB0]  }
0x31: {  	[smem:$0x3FB9] =	sst s10  }
0x32: {  	s10 =	sld [smem:$0x3FB7];
	_ =	sdelay $0x3  }
0x33: {  	p0 =	seq.s32 s10, $0x1;
	s10 =	sld [smem:$0x3FB9];
	_ =	sdelay $0x3  }
0x34: {  	[smem:$0x3FB9] =	sst s10  }
0x35: {  	s10 =	sld [smem:$0x3FB8];
	_ =	sdelay $0x3  }
0x36: {  	p1 =	seq.s32 s10, $0x1;
	s10 =	sld [smem:$0x3FB9];
	_ =	sdelay $0x3  }
0x37: {  	[smem:$0x3FB9] =	sst s10  }
0x38: {  	s10 =	sld [smem:$0x3FBA]  }
0x39: {  	_ = 	snop;
	(pc) =	sbr.ind lr, $3  }
0x3a: {  	_ = 	snop  }
0x3b: {  	_ = 	snop  }
0x3c: {  	p2 =	seq.s32 s10, $0x1;
	s10 =	sld [smem:$0x3FB9]  }
0x3d: {  	_ =	shalt  }
0x3e: {  	_ =	shalt  }
0x3f: {  	_ =	shalt  }
0x40: {  	_ =	shalt  }
0x41: {  	_ =	shalt  }
0x42: {  	_ =	shalt  }
0x43: {  	_ =	shalt  }
0x44: {  	_ =	shalt  }
0x45: {  	_ =	shalt  }
0x46: {  	_ =	shalt  }
0x47: {  	_ =	shalt  }
0x48: {  	_ =	shalt  }
0x49: {  	_ =	shalt  }
0x4a: {  	_ =	shalt  }
0x4b: {  	_ =	shalt  }
0x4c: {  	_ =	shalt  }
0x4d: {  	_ =	shalt  }
0x4e: {  	_ =	shalt  }
0x4f: {  	_ =	shalt  }
0x50: {  	_ =	shalt  }
0x51: {  	_ =	shalt  }
0x52: {  	_ =	shalt  }
0x53: {  	_ =	shalt  }
0x54: {  	_ =	shalt  }
0x55: {  	_ =	shalt  }
0x56: {  	_ =	shalt  }
0x57: {  	_ =	shalt  }
0x58: {  	_ =	shalt  }
0x59: {  	_ =	shalt  }
0x5a: {  	_ =	shalt  }
0x5b: {  	_ =	shalt  }
0x5c: {  	_ =	shalt  }
0x5d: {  	_ =	shalt  }
0x5e: {  	_ =	shalt  }
0x5f: {  	_ =	shalt  }
0x60: {  	_ =	shalt  }
0x61: {  	_ =	shalt  }
0x62: {  	_ =	shalt  }
0x63: {  	_ =	shalt  }
0x64: {  	_ =	shalt  }
0x65: {  	_ =	shalt  }
0x66: {  	_ =	shalt  }
0x67: {  	_ =	shalt  }
0x68: {  	_ =	shalt  }
0x69: {  	_ =	shalt  }
0x6a: {  	_ =	shalt  }
0x6b: {  	_ =	shalt  }
0x6c: {  	_ =	shalt  }
0x6d: {  	_ =	shalt  }
0x6e: {  	_ =	shalt  }
0x6f: {  	_ =	shalt  }
0x70: {  	_ =	shalt  }
0x71: {  	_ =	shalt  }
0x72: {  	_ =	shalt  }
0x73: {  	_ =	shalt  }
0x74: {  	_ =	shalt  }
0x75: {  	_ =	shalt  }
0x76: {  	_ =	shalt  }
0x77: {  	_ =	shalt  }
0x78: {  	_ =	shalt  }
0x79: {  	_ =	shalt  }
0x7a: {  	_ =	shalt  }
0x7b: {  	_ =	shalt  }
0x7c: {  	_ =	shalt  }
0x7d: {  	_ =	shalt  }
0x7e: {  	_ =	shalt  }
0x7f: {  	_ =	shalt  }
0x80: {  	_ =	shalt  }
0x81: {  	_ =	shalt  }
0x82: {  	_ =	shalt  }
0x83: {  	_ =	shalt  }
0x84: {  	_ =	shalt  }
0x85: {  	_ =	shalt  }
0x86: {  	_ =	shalt  }
0x87: {  	_ =	shalt  }
.Lfunc_end0:
.L_simem_size_0:
called_computation_lowered:
.L_overlay_start_0:
0x88: {  	s2 =	sld [smem:$0x3FD9]  }
0x89: {  	s3 =	sld [smem:$0x3FFE];
	_ =	sdelay $0x1  }
0x8a: {  	s1 =	srdreg.scid  }
0x8b: {  	s0 =	sand.u32 $0x1, s1  }
0x8c: {  	s18 =	sshll.u32 s0, $0xA;
	s2 =	sadd.s32 s3, s2  }
0x8d: {  	s2 =	sadd.s32 s2, s18  }
0x8e: {  	[smem:$0x3FC5] =	sst s2  }
0x8f: {  	_ = 	snop  }
0x90: {  	s2 =	sld [smem:$0x3FC9]  }
0x91: {  	s19 =	sld [smem:$0x3FC8]  }
0x92: {  	s4 =	sld [smem:$0x3FC7]  }
0x93: {  	s5 =	sld [smem:$0x3FD0];
	(tm) =	ssettm $0x1  }
0x94: {  	s6 =	sld [smem:$0x3FFB];
	_ =	sdelay $0x3  }
0x95: {  	_ =	strace s6  }
0x96: {  	s6 =	sld [smem:$0x3FFC];
	_ =	sdelay $0x3  }
0x97: {  	_ =	strace s6  }
0x98: {  	s6 =	sld [smem:$0x3FFD];
	_ =	sdelay $0x3  }
0x99: {  	_ =	strace s6  }
0x9a: {  	_ =	strace $0x8FFFFFFF  }
0x9b: {  	s20 =	sld [smem:$0x3FDB];
	_ =	sdelay $0x1  }
0x9c: {  	s7 =	simm.s32 $_scs_section_size  }
0x9d: {  	s8 =	simm.s32 $_size__tile_overlayer_lowered;
	s9 =	simm.s32 $_tile_overlayer_lowered  }
0x9e: {  	s23 =	simm.s32 $0x1BFF;
	s22 =	sshll.u32 s9, $0x1;
	s6 =	sadd.s32 s7, s20  }
0x9f: {  	s10 =	simm.s32 $0x0;
	s21 =	sshll.u32 s8, $0x1;
	s8 =	sadd.s32 s22, s6  }
0xa0: {  	[timem:s10], [sflag:s23] =	dma.local [hbm:s8], s21  }
0xa1: {  	_ =	swait.ge [sflag:s23], s21  }
0xa2: {  	s7 =	ssub.s32 $0x0, s21;
	[sflag:s23] =	ssyncset.done $0x0  }
0xa3: {  	[sflag:s23] =	ssyncadd.s32 s7;
	_ =	sdelay $0x1  }
0xa4: {  	s24 =	simm.s32 $0x1B8B  }
0xa5: {  	_ =	swait.ge [sflag:s24], $0x1  }
0xa6: {  	[sflag:s24] =	ssyncset.done $0x0  }
0xa7: {  	s25 =	simm.s32 $0x1B8E;
	[sflag:s24] =	ssyncadd.s32 $0xFFFFFFFF  }
0xa8: {  	s26 =	simm.s32 $execute0_lowered;
	[smem:$0x3FD2] =	sst s25  }
0xa9: {  	s7 =	sshll.u32 s26, $0x1;
	_ =	strace $0x80000046;
	[dreg:$0x1] =	wrdreg $0xFFFFFFFF  }
0xaa: {  	s28 =	simm.s32 $_size_execute0_lowered;
	s6 =	sadd.s32 s6, s7;
	[dreg:$0x0] =	wrdreg $0x0  }
0xab: {  	s7 =	sshll.u32 s28, $0x1;
	[dreg:$0x2] =	wrdreg s6  }
0xac: {  	[dreg:$0x3] =	wrdreg s7  }
0xad: {  	[dreg:$0x4] =	wrdreg $0xC0  }
0xae: {  	_ =	task [dreg:s10], $0x5FFFF  }
0xaf: {  	[dreg:$0x1] =	wrdreg $0xFFFFFFFF  }
0xb0: {  	[dreg:$0x0] =	wrdreg $0x60  }
0xb1: {  	[dreg:$0x2] =	wrdreg s2  }
0xb2: {  	[dreg:$0x3] =	wrdreg s19  }
0xb3: {  	[dreg:$0x4] =	wrdreg s4  }
0xb4: {  	[dreg:$0x5] =	wrdreg s5  }
0xb5: {  	[dreg:$0x6] =	wrdreg $0xB8000  }
0xb6: {  	[dreg:$0x7] =	wrdreg $0x9  }
0xb7: {  	_ =	task.clear_ibuf [dreg:s10], $0x8FFFF;
	_ =	strace $0x90000046  }
0xb8: {  	s29 =	simm.s32 $0x9;
	_ =	strace $0x80000048  }
0xb9: {  	_ =	swait.ge [sflag:s29], $0x1  }
0xba: {  	[sflag:s29] =	ssyncadd.s32 $0xFFFFFFFF  }
0xbb: {  	_ =	strace $0x90000048  }
0xbc: {  	_ =	sfence  }
0xbd: {  	s30 =	sld [smem:$0x0];
	_ =	sdelay $0x2  }
0xbe: {  	s31 =	sshll.u32 s1, $0xD;
	s1 =	sshrl.u32 s1, $0x2  }
0xbf: {  	s3 =	sand.u32 $0x4000, s31;
	s1 =	sadd.s32 s1, s30  }
0xc0: {  	s0 =	sor.u32 s3, s0;
	s1 =	sshll.u32 s1, $0x11  }
0xc1: {  	s0 =	sor.u32 s1, s0  }
0xc2: {  	s0 =	sadd.s32 $0x8F2B, s0  }
0xc3: {  	[sflag:s0] =	ssyncadd.remote.s32 $0x1  }
0xc4: {  	_ =	sfence.sel $0xFFFF  }
0xc5: {  	[dreg:$0x0] =	wrdreg $0xFFFFFFFF;
	(pc) =	sbr.abs _section_cstart, $3  }
0xc6: {  	[dreg:$0x1] =	wrdreg $0xFFFFFFFF  }
0xc7: {  	_ =	task.clear_ibuf [dreg:s10], $0x2FFFF;
	_ =	strace $0x9FFFFFFF  }
0xc8: {  	(tm) =	ssettm $0x7FFFFFFF  }
0xc9: {  	_ =	shalt  }
tec
execute0_lowered:
.L_overlay_start_1:
0x0: {  	(tag) =	ssettag $0x1  }
0x1: {  	s1 =	rddreg [dreg:$0x0]  }
0x2: {  	s0 =	rddreg [dreg:$0x1]  }
0x3: {  	s2 =	rddreg [dreg:$0x2]  }
0x4: {  	s6 =	rddreg [dreg:$0x3]  }
0x5: {  	s3 =	rddreg [dreg:$0x4];
	s13 =	stileid.u32  }
0x6: {  	s5 =	srdreg.scid;
	s4 =	simm.s32 $0x0;
	s8 =	smul.u32 $0x50000, s13  }
0x7: {  	s7 =	sand.u32 $0x1, s5;
	s22 =	sshll.u32 s13, $0x1;
	s25 =	smul.u32 $0x13800, s13  }
0x8: {  	[smem:$0x7FF] =	sst s4;
	s26 =	smul.u32 $0x4E000, s13;
	p0 =	seq.s32 s13, $0xF  }
0x9: {  	s5 =	sor.u32 s7, s22;
	s9 =	ssub.s32 $0x2, s7;
	s7 =	smul.u32 $0x138800, s7  }
0xa: {  	s13 =	simm.s32 $0x1;
	_ =	strace $0x80000047;
	s10 =	smul.u32 $0x500, s5  }
0xb: {  	s11 =	sshrl.u32 s9, $0x1;
	s8 =	sshrl.u32 s8, $0x2;
	s12 =	smul.u32 $0x2800, s5  }
0xc: {  	s14 =	sshrl.u32 s26, $0x2;
	s9 =	ssub.s32 s9, s11;
	s5 =	sadd.s32 s8, s3  }
0xd: {  	s11 =	simm.s32 $0x2800;
	s23 =	sadd.s32 s0, s10;
	s24 =	sshrl.u32 s12, $0x3  }
0xe: {  	s10 =	sadd.s32 s2, s10;
	s12 =	sadd.s32 s25, s7;
	[dreg:$0x6] =	wrdreg s23  }
0xf: {  	s7 =	sshrl.u32 s7, $0x3;
	s16 =	smax.u32 s9, $0x1;
	[dreg:$0x7] =	wrdreg s10  }
0x10: {  	s17 =	sadd.s32 $0x1000, s5;
	s18 =	sadd.s32 $0x2000, s5;
	[dreg:$0xc] =	wrdreg s16  }
0x11: {  	s19 =	sadd.s32 $0x3000, s5;
	s20 =	sadd.s32 $0x4000, s5;
	[dreg:$0xd] =	wrdreg s17  }
0x12: {  	s21 =	sadd.s32 $0x5000, s5;
	s22 =	sadd.s32 $0x6000, s5;
	[dreg:$0xe] =	wrdreg s18  }
0x13: {  	s25 =	sadd.s32 $0x9000, s5;
	s26 =	sadd.s32 $0xA000, s5;
	[dreg:$0xf] =	wrdreg s19  }
0x14: {  	s28 =	sadd.s32 $0xD000, s5;
	s29 =	sadd.s32 $0xE000, s5;
	[dreg:$0x10] =	wrdreg s20  }
0x15: {  	s30 =	sadd.s32 $0xF000, s5;
	s31 =	sadd.s32 $0x10000, s5;
	[dreg:$0x11] =	wrdreg s21  }
0x16: {  	s9 =	simm.s32 $0x1400;
	s8 =	sadd.s32 $0x280, s24;
	[dreg:$0x12] =	wrdreg s22  }
0x17: {  	s15 =	sadd.s32 s6, s7;
	s23 =	sadd.s32 $0x7000, s5;
	[dreg:$0x15] =	wrdreg s25  }
0x18: {  	s24 =	sadd.s32 $0x8000, s5;
	[dreg:$0x16] =	wrdreg s26;
	s26 =	sadd.s32 $0xC000, s5  }
0x19: {  	s7 =	simm.s32 $0xA800;
	s10 =	simm.s32 $0x80;
	[dreg:$0x13] =	wrdreg s23  }
0x1a: {  	s16 =	simm.s32 $0x2700;
	s0 =	sadd.s32 s0, s8;
	[dreg:$0x14] =	wrdreg s24  }
0x1b: {  	s17 =	simm.s32 $0x2780;
	s8 =	sadd.s32 s2, s8;
	[dreg:$0x8] =	wrdreg s0  }
0x1c: {  	s2 =	sadd.s32 $0x24900, s15;
	s23 =	sadd.s32 $0xB000, s5;
	[dreg:$0x9] =	wrdreg s8  }
0x1d: {  	s15 =	simm.s32 $0x1380;
	s0 =	sshrl.u32 s12, $0x3;
	[dreg:$0xb] =	wrdreg s2  }
0x1e: {  	s2 =	sadd.s32 $0x124800, s3;
	s8 =	simm.s32 $0x3;
	s12 =	simm.s32 $0x6800  }
0x1f: {  	s0 =	sadd.s32 s6, s0;
	s24 =	sshrl.u32 @p0 s2, $0x3;
	s2 =	sadd.s32 $0x12000, s5  }
0x20: {  	s6 =	sadd.s32 $0x13000, s5;
	[dreg:$0xa] =	wrdreg s0;
	s0 =	sadd.s32 s14, s3  }
0x21: {  	v0 =	vimm.f32 $0.0e+00;
	s14 =	simm.s32 $0x2;
	s25 =	sshrl.u32 @!p0 s0, $0x3;
	s0 =	sadd.s32 $0x11000, s5  }
.LBB2_1:
0x22: {  	s18 =	simm.s32 $0x0;
	s19 =	simm.s32 $0x200  }
.LBB2_2:
0x23: {  	p1 =	sne.s32 s19, $0x3E00;
	[tilespmem:s18+$0xA870] =	vst v0  }
0x24: {  	[tilespmem:s18+$0xA800] =	vst v0  }
0x25: {  	[tilespmem:s18+$0xA810] =	vst v0  }
.Ltmp0:
0x26: {  	[tilespmem:s18+$0xA820] =	vst v0;
	(pc) =	sbr.rel @p1 .LBB2_2-.Ltmp0, $4  }
0x27: {  	[tilespmem:s18+$0xA830] =	vst v0  }
0x28: {  	[tilespmem:s18+$0xA840] =	vst v0  }
0x29: {  	[tilespmem:s18+$0xA850] =	vst v0  }
0x2a: {  	[tilespmem:s18+$0xA860] =	vst v0;
	s18 =	sshra.s32 s19, $0x2;
	s19 =	sadd.s32 $0x200, s19  }
0x2b: {  	[tilespmem:s18+$0xA870] =	vst v0  }
0x2c: {  	[tilespmem:s18+$0xA800] =	vst v0  }
0x2d: {  	[tilespmem:s18+$0xA810] =	vst v0  }
0x2e: {  	[tilespmem:s18+$0xA820] =	vst v0  }
0x2f: {  	[tilespmem:s18+$0xA830] =	vst v0  }
0x30: {  	[tilespmem:s18+$0xA840] =	vst v0  }
0x31: {  	[tilespmem:s18+$0xA850] =	vst v0  }
0x32: {  	[tilespmem:s18+$0xA860] =	vst v0  }
0x33: {  	[spmem:s5] =	stream.linear.scatter [tilespmem:s7], [sflag:$0x3], $0x1000, $0x38;
	[tilespmem:$0x1F800] =	vst v63  }
0x34: {  	_ =	swait.ge [sflag:s8], $0x1000  }
0x35: {  	[sflag:s8] =	ssyncset.done $0x0  }
0x36: {  	s19 =	rddreg [dreg:$0xd];
	[sflag:s8] =	ssyncadd.s32 $0xFFFFF000  }
0x37: {  	[spmem:s19] =	stream.linear.scatter [tilespmem:s7], [sflag:$0x3], $0x1000, $0x38;
	[tilespmem:$0x1F800] =	vst v63  }
0x38: {  	_ =	swait.ge [sflag:s8], $0x1000  }
0x39: {  	[sflag:s8] =	ssyncset.done $0x0  }
0x3a: {  	s20 =	rddreg [dreg:$0xe];
	[sflag:s8] =	ssyncadd.s32 $0xFFFFF000  }
0x3b: {  	[spmem:s20] =	stream.linear.scatter [tilespmem:s7], [sflag:$0x3], $0x1000, $0x38;
	[tilespmem:$0x1F800] =	vst v63  }
0x3c: {  	_ =	swait.ge [sflag:s8], $0x1000  }
0x3d: {  	[sflag:s8] =	ssyncset.done $0x0  }
0x3e: {  	s21 =	rddreg [dreg:$0xf];
	[sflag:s8] =	ssyncadd.s32 $0xFFFFF000  }
0x3f: {  	[spmem:s21] =	stream.linear.scatter [tilespmem:s7], [sflag:$0x3], $0x1000, $0x38;
	[tilespmem:$0x1F800] =	vst v63  }
0x40: {  	_ =	swait.ge [sflag:s8], $0x1000  }
0x41: {  	[sflag:s8] =	ssyncset.done $0x0  }
0x42: {  	s22 =	rddreg [dreg:$0x10];
	[sflag:s8] =	ssyncadd.s32 $0xFFFFF000  }
0x43: {  	[spmem:s22] =	stream.linear.scatter [tilespmem:s7], [sflag:$0x3], $0x1000, $0x38;
	[tilespmem:$0x1F800] =	vst v63  }
0x44: {  	_ =	swait.ge [sflag:s8], $0x1000  }
0x45: {  	[sflag:s8] =	ssyncset.done $0x0  }
0x46: {  	s19 =	rddreg [dreg:$0x11];
	[sflag:s8] =	ssyncadd.s32 $0xFFFFF000  }
0x47: {  	[spmem:s19] =	stream.linear.scatter [tilespmem:s7], [sflag:$0x3], $0x1000, $0x38;
	[tilespmem:$0x1F800] =	vst v63  }
0x48: {  	_ =	swait.ge [sflag:s8], $0x1000  }
0x49: {  	[sflag:s8] =	ssyncset.done $0x0  }
0x4a: {  	s20 =	rddreg [dreg:$0x12];
	[sflag:s8] =	ssyncadd.s32 $0xFFFFF000  }
0x4b: {  	[spmem:s20] =	stream.linear.scatter [tilespmem:s7], [sflag:$0x3], $0x1000, $0x38;
	[tilespmem:$0x1F800] =	vst v63  }
0x4c: {  	_ =	swait.ge [sflag:s8], $0x1000  }
0x4d: {  	[sflag:s8] =	ssyncset.done $0x0  }
0x4e: {  	s21 =	rddreg [dreg:$0x13];
	[sflag:s8] =	ssyncadd.s32 $0xFFFFF000  }
0x4f: {  	[spmem:s21] =	stream.linear.scatter [tilespmem:s7], [sflag:$0x3], $0x1000, $0x38;
	[tilespmem:$0x1F800] =	vst v63  }
0x50: {  	_ =	swait.ge [sflag:s8], $0x1000  }
0x51: {  	[sflag:s8] =	ssyncset.done $0x0  }
0x52: {  	s22 =	rddreg [dreg:$0x14];
	[sflag:s8] =	ssyncadd.s32 $0xFFFFF000  }
0x53: {  	[spmem:s22] =	stream.linear.scatter [tilespmem:s7], [sflag:$0x3], $0x1000, $0x38;
	[tilespmem:$0x1F800] =	vst v63  }
0x54: {  	_ =	swait.ge [sflag:s8], $0x1000  }
0x55: {  	[sflag:s8] =	ssyncset.done $0x0  }
0x56: {  	s19 =	rddreg [dreg:$0x15];
	[sflag:s8] =	ssyncadd.s32 $0xFFFFF000  }
0x57: {  	[spmem:s19] =	stream.linear.scatter [tilespmem:s7], [sflag:$0x3], $0x1000, $0x38;
	[tilespmem:$0x1F800] =	vst v63  }
0x58: {  	_ =	swait.ge [sflag:s8], $0x1000  }
0x59: {  	[sflag:s8] =	ssyncset.done $0x0  }
0x5a: {  	s20 =	rddreg [dreg:$0x16];
	[sflag:s8] =	ssyncadd.s32 $0xFFFFF000  }
0x5b: {  	[spmem:s20] =	stream.linear.scatter [tilespmem:s7], [sflag:$0x3], $0x1000, $0x38;
	[tilespmem:$0x1F800] =	vst v63  }
0x5c: {  	_ =	swait.ge [sflag:s8], $0x1000  }
0x5d: {  	[sflag:s8] =	ssyncset.done $0x0  }
0x5e: {  	[sflag:s8] =	ssyncadd.s32 $0xFFFFF000  }
0x5f: {  	[spmem:s23] =	stream.linear.scatter [tilespmem:s7], [sflag:$0x3], $0x1000, $0x38;
	[tilespmem:$0x1F800] =	vst v63  }
0x60: {  	_ =	swait.ge [sflag:s8], $0x1000  }
0x61: {  	[sflag:s8] =	ssyncset.done $0x0  }
0x62: {  	[sflag:s8] =	ssyncadd.s32 $0xFFFFF000  }
0x63: {  	[spmem:s26] =	stream.linear.scatter [tilespmem:s7], [sflag:$0x3], $0x1000, $0x38;
	[tilespmem:$0x1F800] =	vst v63  }
0x64: {  	_ =	swait.ge [sflag:s8], $0x1000  }
0x65: {  	[sflag:s8] =	ssyncset.done $0x0  }
0x66: {  	[sflag:s8] =	ssyncadd.s32 $0xFFFFF000  }
0x67: {  	[spmem:s28] =	stream.linear.scatter [tilespmem:s7], [sflag:$0x3], $0x1000, $0x38;
	[tilespmem:$0x1F800] =	vst v63  }
0x68: {  	_ =	swait.ge [sflag:s8], $0x1000  }
0x69: {  	[sflag:s8] =	ssyncset.done $0x0  }
0x6a: {  	[sflag:s8] =	ssyncadd.s32 $0xFFFFF000  }
0x6b: {  	[spmem:s29] =	stream.linear.scatter [tilespmem:s7], [sflag:$0x3], $0x1000, $0x38;
	[tilespmem:$0x1F800] =	vst v63  }
0x6c: {  	_ =	swait.ge [sflag:s8], $0x1000  }
0x6d: {  	[sflag:s8] =	ssyncset.done $0x0  }
0x6e: {  	[sflag:s8] =	ssyncadd.s32 $0xFFFFF000  }
0x6f: {  	[spmem:s30] =	stream.linear.scatter [tilespmem:s7], [sflag:$0x3], $0x1000, $0x38;
	[tilespmem:$0x1F800] =	vst v63  }
0x70: {  	_ =	swait.ge [sflag:s8], $0x1000  }
0x71: {  	[sflag:s8] =	ssyncset.done $0x0  }
0x72: {  	[sflag:s8] =	ssyncadd.s32 $0xFFFFF000  }
0x73: {  	[spmem:s31] =	stream.linear.scatter [tilespmem:s7], [sflag:$0x3], $0x1000, $0x38;
	[tilespmem:$0x1F800] =	vst v63  }
0x74: {  	_ =	swait.ge [sflag:s8], $0x1000  }
0x75: {  	[sflag:s8] =	ssyncset.done $0x0  }
0x76: {  	[sflag:s8] =	ssyncadd.s32 $0xFFFFF000  }
0x77: {  	[spmem:s0] =	stream.linear.scatter [tilespmem:s7], [sflag:$0x3], $0x1000, $0x38;
	[tilespmem:$0x1F800] =	vst v63  }
0x78: {  	_ =	swait.ge [sflag:s8], $0x1000  }
0x79: {  	[sflag:s8] =	ssyncset.done $0x0  }
0x7a: {  	[sflag:s8] =	ssyncadd.s32 $0xFFFFF000  }
0x7b: {  	[spmem:s2] =	stream.linear.scatter [tilespmem:s7], [sflag:$0x3], $0x1000, $0x38;
	[tilespmem:$0x1F800] =	vst v63  }
0x7c: {  	_ =	swait.ge [sflag:s8], $0x1000  }
0x7d: {  	[sflag:s8] =	ssyncset.done $0x0  }
0x7e: {  	[sflag:s8] =	ssyncadd.s32 $0xFFFFF000  }
0x7f: {  	[spmem:s6] =	stream.linear.scatter [tilespmem:s7], [sflag:$0x3], $0x1000, $0x38;
	[tilespmem:$0x1F800] =	vst v63  }
0x80: {  	_ =	swait.ge [sflag:s8], $0x1000  }
0x81: {  	[sflag:s8] =	ssyncset.done $0x0  }
0x82: {  	[sflag:s8] =	ssyncadd.s32 $0xFFFFF000  }
0x83: {  	[bflag:$0x0] =	sbarrier.arrive $0xFFFF  }
0x84: {  	s21 =	simm.s32 $0x0;
	s19 =	rddreg [dreg:$0x6]  }
0x85: {  	[tilespmem:s21], [sflag:$0x3] =	stream.linear.gather [hbm4b:s19+s21], $0x1400, $0x38;
	[tilespmem:$0x1F800] =	vst v63  }
0x86: {  	_ =	swait.ge [sflag:s8], $0x1400  }
0x87: {  	[sflag:s8] =	ssyncset.done $0x0  }
0x88: {  	s22 =	rddreg [dreg:$0x7];
	[sflag:s8] =	ssyncadd.s32 $0xFFFFEC00  }
0x89: {  	[tilespmem:s9], [sflag:$0x3] =	stream.linear.gather [hbm4b:s22+s21], $0x1400, $0x38;
	[tilespmem:$0x1F800] =	vst v63  }
0x8a: {  	_ =	swait.ge [sflag:s8], $0x1400  }
0x8b: {  	[sflag:s8] =	ssyncset.done $0x0  }
0x8c: {  	[sflag:s8] =	ssyncadd.s32 $0xFFFFEC00  }
0x8d: {  	[tilespmem:s11], [sflag:$0x1] =	stream.indirect.gather [hbm4b:s1+s10], $0x80, s21, s10, $0xb8;
	[tilespmem:$0x1F800] =	vst v63  }
0x8e: {  	s19 =	simm.s32 $0x80  }
0x8f: {  	[tilespmem:s12], [sflag:$0x2] =	stream.indirect.gather [hbm4b:s1+s10], $0x80, s19, s10, $0xb8;
	[tilespmem:$0x1F800] =	vst v63  }
0x90: {  	_ =	swait.ge [sflag:s13], $0x4000  }
0x91: {  	[sflag:s13] =	ssyncset.done $0x0  }
0x92: {  	s20 =	simm.s32 $0x1400;
	[sflag:s13] =	ssyncadd.s32 $0xFFFFC000  }
0x93: {  	[spmem:s3] =	stream.indirect.scatter.add.f32 [tilespmem:s11], [sflag:$0x3], $0x80, s20, s10, $0xb8;
	[tilespmem:$0x1F800] =	vst v63  }
0x94: {  	_ =	swait.ge [sflag:s8], $0x4000  }
0x95: {  	[sflag:s8] =	ssyncset.done $0x0  }
0x96: {  	s21 =	simm.s32 $0x100;
	[sflag:s8] =	ssyncadd.s32 $0xFFFFC000  }
0x97: {  	[tilespmem:s11], [sflag:$0x1] =	stream.indirect.gather [hbm4b:s1+s10], $0x80, s21, s10, $0xb8;
	[tilespmem:$0x1F800] =	vst v63  }
0x98: {  	_ =	swait.ge [sflag:s14], $0x4000  }
0x99: {  	[sflag:s14] =	ssyncset.done $0x0  }
0x9a: {  	s22 =	simm.s32 $0x1480;
	[sflag:s14] =	ssyncadd.s32 $0xFFFFC000  }
0x9b: {  	[spmem:s3] =	stream.indirect.scatter.add.f32 [tilespmem:s12], [sflag:$0x3], $0x80, s22, s10, $0xb8;
	[tilespmem:$0x1F800] =	vst v63  }
0x9c: {  	_ =	swait.ge [sflag:s8], $0x4000  }
0x9d: {  	s18 =	simm.s32 $0x100;
	s19 =	simm.s32 $0x800;
	[sflag:s8] =	ssyncset.done $0x0  }
.LBB2_4:
0x9e: {  	s20 =	sadd.s32 $0x80, s18  }
0x9f: {  	[sflag:s8] =	ssyncadd.s32 $0xFFFFC000;
	s21 =	smov.u32 s19;
	s22 =	sadd.s32 $0x400, s19  }
0xa0: {  	[tilespmem:s12], [sflag:$0x2] =	stream.indirect.gather [hbm4b:s1+s10], $0x80, s20, s10, $0xb8;
	[tilespmem:$0x1F800] =	vst v63  }
0xa1: {  	p1 =	sne.s32 s19, $0x4800;
	_ =	swait.ge [sflag:s13], $0x4000  }
0xa2: {  	[sflag:s13] =	ssyncset.done $0x0  }
0xa3: {  	s19 =	sadd.s32 $0x1400, s18;
	[sflag:s13] =	ssyncadd.s32 $0xFFFFC000  }
0xa4: {  	[spmem:s3] =	stream.indirect.scatter.add.f32 [tilespmem:s11], [sflag:$0x3], $0x80, s19, s10, $0xb8;
	[tilespmem:$0x1F800] =	vst v63  }
0xa5: {  	_ =	swait.ge [sflag:s8], $0x4000  }
0xa6: {  	[sflag:s8] =	ssyncset.done $0x0  }
0xa7: {  	s19 =	sadd.s32 $0x100, s18;
	[sflag:s8] =	ssyncadd.s32 $0xFFFFC000  }
0xa8: {  	[tilespmem:s11], [sflag:$0x1] =	stream.indirect.gather [hbm4b:s1+s10], $0x80, s19, s10, $0xb8;
	[tilespmem:$0x1F800] =	vst v63  }
0xa9: {  	_ =	swait.ge [sflag:s14], $0x4000  }
.Ltmp1:
0xaa: {  	[sflag:s14] =	ssyncset.done $0x0;
	(pc) =	sbr.rel @p1 .LBB2_4-.Ltmp1, $4  }
0xab: {  	s18 =	sadd.s32 $0x1480, s18;
	[sflag:s14] =	ssyncadd.s32 $0xFFFFC000  }
0xac: {  	[spmem:s3] =	stream.indirect.scatter.add.f32 [tilespmem:s12], [sflag:$0x3], $0x80, s18, s10, $0xb8;
	[tilespmem:$0x1F800] =	vst v63  }
0xad: {  	_ =	swait.ge [sflag:s8], $0x4000  }
0xae: {  	s19 =	smov.u32 s22;
	s18 =	sshra.s32 s21, $0x2;
	[sflag:s8] =	ssyncset.done $0x0  }
0xaf: {  	s19 =	sadd.s32 $0x80, s18;
	[sflag:s8] =	ssyncadd.s32 $0xFFFFC000  }
0xb0: {  	[tilespmem:s12], [sflag:$0x2] =	stream.indirect.gather [hbm4b:s1+s10], $0x80, s19, s10, $0xb8;
	[tilespmem:$0x1F800] =	vst v63  }
0xb1: {  	_ =	swait.ge [sflag:s13], $0x4000  }
0xb2: {  	[sflag:s13] =	ssyncset.done $0x0  }
0xb3: {  	s21 =	sadd.s32 $0x1400, s18;
	[sflag:s13] =	ssyncadd.s32 $0xFFFFC000  }
0xb4: {  	[spmem:s3] =	stream.indirect.scatter.add.f32 [tilespmem:s11], [sflag:$0x3], $0x80, s21, s10, $0xb8;
	[tilespmem:$0x1F800] =	vst v63  }
0xb5: {  	_ =	swait.ge [sflag:s8], $0x4000  }
0xb6: {  	[sflag:s8] =	ssyncset.done $0x0  }
0xb7: {  	s22 =	sadd.s32 $0x100, s18;
	[sflag:s8] =	ssyncadd.s32 $0xFFFFC000  }
0xb8: {  	[tilespmem:s11], [sflag:$0x1] =	stream.indirect.gather [hbm4b:s1+s10], $0x80, s22, s10, $0xb8;
	[tilespmem:$0x1F800] =	vst v63  }
0xb9: {  	_ =	swait.ge [sflag:s14], $0x4000  }
0xba: {  	[sflag:s14] =	ssyncset.done $0x0  }
0xbb: {  	s19 =	sadd.s32 $0x1480, s18;
	[sflag:s14] =	ssyncadd.s32 $0xFFFFC000  }
0xbc: {  	[spmem:s3] =	stream.indirect.scatter.add.f32 [tilespmem:s12], [sflag:$0x3], $0x80, s19, s10, $0xb8;
	[tilespmem:$0x1F800] =	vst v63  }
0xbd: {  	_ =	swait.ge [sflag:s8], $0x4000  }
0xbe: {  	[sflag:s8] =	ssyncset.done $0x0  }
0xbf: {  	[sflag:s8] =	ssyncadd.s32 $0xFFFFC000  }
0xc0: {  	[tilespmem:s12], [sflag:$0x2] =	stream.indirect.gather [hbm4b:s1+s10], $0x80, s15, s10, $0xb8;
	[tilespmem:$0x1F800] =	vst v63  }
0xc1: {  	_ =	swait.ge [sflag:s13], $0x4000  }
0xc2: {  	[sflag:s13] =	ssyncset.done $0x0  }
0xc3: {  	[sflag:s13] =	ssyncadd.s32 $0xFFFFC000  }
0xc4: {  	[spmem:s3] =	stream.indirect.scatter.add.f32 [tilespmem:s11], [sflag:$0x3], $0x80, s16, s10, $0xb8;
	[tilespmem:$0x1F800] =	vst v63  }
0xc5: {  	_ =	swait.ge [sflag:s8], $0x4000  }
0xc6: {  	[sflag:s8] =	ssyncset.done $0x0  }
0xc7: {  	[sflag:s8] =	ssyncadd.s32 $0xFFFFC000  }
0xc8: {  	_ =	swait.ge [sflag:s14], $0x4000  }
0xc9: {  	[sflag:s14] =	ssyncset.done $0x0  }
0xca: {  	[sflag:s14] =	ssyncadd.s32 $0xFFFFC000  }
0xcb: {  	[spmem:s3] =	stream.indirect.scatter.add.f32 [tilespmem:s12], [sflag:$0x3], $0x80, s17, s10, $0xb8;
	[tilespmem:$0x1F800] =	vst v63  }
0xcc: {  	_ =	swait.ge [sflag:s8], $0x4000  }
0xcd: {  	[sflag:s8] =	ssyncset.done $0x0  }
0xce: {  	s20 =	simm.s32 $0x0;
	s21 =	rddreg [dreg:$0x8];
	[sflag:s8] =	ssyncadd.s32 $0xFFFFC000  }
0xcf: {  	[tilespmem:s20], [sflag:$0x3] =	stream.linear.gather [hbm4b:s21+s20], $0x1400, $0x38;
	[tilespmem:$0x1F800] =	vst v63  }
0xd0: {  	_ =	swait.ge [sflag:s8], $0x1400  }
0xd1: {  	[sflag:s8] =	ssyncset.done $0x0  }
0xd2: {  	s22 =	rddreg [dreg:$0x9];
	[sflag:s8] =	ssyncadd.s32 $0xFFFFEC00  }
0xd3: {  	[tilespmem:s9], [sflag:$0x3] =	stream.linear.gather [hbm4b:s22+s20], $0x1400, $0x38;
	[tilespmem:$0x1F800] =	vst v63  }
0xd4: {  	_ =	swait.ge [sflag:s8], $0x1400  }
0xd5: {  	[sflag:s8] =	ssyncset.done $0x0  }
0xd6: {  	[sflag:s8] =	ssyncadd.s32 $0xFFFFEC00  }
0xd7: {  	[tilespmem:s11], [sflag:$0x1] =	stream.indirect.gather [hbm4b:s1+s10], $0x80, s20, s10, $0xb8;
	[tilespmem:$0x1F800] =	vst v63  }
0xd8: {  	s19 =	simm.s32 $0x80  }
0xd9: {  	[tilespmem:s12], [sflag:$0x2] =	stream.indirect.gather [hbm4b:s1+s10], $0x80, s19, s10, $0xb8;
	[tilespmem:$0x1F800] =	vst v63  }
0xda: {  	_ =	swait.ge [sflag:s13], $0x4000  }
0xdb: {  	[sflag:s13] =	ssyncset.done $0x0  }
0xdc: {  	s20 =	simm.s32 $0x1400;
	[sflag:s13] =	ssyncadd.s32 $0xFFFFC000  }
0xdd: {  	[spmem:s3] =	stream.indirect.scatter.add.f32 [tilespmem:s11], [sflag:$0x3], $0x80, s20, s10, $0xb8;
	[tilespmem:$0x1F800] =	vst v63  }
0xde: {  	_ =	swait.ge [sflag:s8], $0x4000  }
0xdf: {  	[sflag:s8] =	ssyncset.done $0x0  }
0xe0: {  	s21 =	simm.s32 $0x100;
	[sflag:s8] =	ssyncadd.s32 $0xFFFFC000  }
0xe1: {  	[tilespmem:s11], [sflag:$0x1] =	stream.indirect.gather [hbm4b:s1+s10], $0x80, s21, s10, $0xb8;
	[tilespmem:$0x1F800] =	vst v63  }
0xe2: {  	_ =	swait.ge [sflag:s14], $0x4000  }
0xe3: {  	[sflag:s14] =	ssyncset.done $0x0  }
0xe4: {  	s22 =	simm.s32 $0x1480;
	[sflag:s14] =	ssyncadd.s32 $0xFFFFC000  }
0xe5: {  	[spmem:s3] =	stream.indirect.scatter.add.f32 [tilespmem:s12], [sflag:$0x3], $0x80, s22, s10, $0xb8;
	[tilespmem:$0x1F800] =	vst v63  }
0xe6: {  	_ =	swait.ge [sflag:s8], $0x4000  }
0xe7: {  	s18 =	simm.s32 $0x100;
	s19 =	simm.s32 $0x800;
	[sflag:s8] =	ssyncset.done $0x0  }
.LBB2_6:
0xe8: {  	s20 =	sadd.s32 $0x80, s18  }
0xe9: {  	[sflag:s8] =	ssyncadd.s32 $0xFFFFC000;
	s21 =	smov.u32 s19;
	s22 =	sadd.s32 $0x400, s19  }
0xea: {  	[tilespmem:s12], [sflag:$0x2] =	stream.indirect.gather [hbm4b:s1+s10], $0x80, s20, s10, $0xb8;
	[tilespmem:$0x1F800] =	vst v63  }
0xeb: {  	p1 =	sne.s32 s19, $0x4800;
	_ =	swait.ge [sflag:s13], $0x4000  }
0xec: {  	[sflag:s13] =	ssyncset.done $0x0  }
0xed: {  	s19 =	sadd.s32 $0x1400, s18;
	[sflag:s13] =	ssyncadd.s32 $0xFFFFC000  }
0xee: {  	[spmem:s3] =	stream.indirect.scatter.add.f32 [tilespmem:s11], [sflag:$0x3], $0x80, s19, s10, $0xb8;
	[tilespmem:$0x1F800] =	vst v63  }
0xef: {  	_ =	swait.ge [sflag:s8], $0x4000  }
0xf0: {  	[sflag:s8] =	ssyncset.done $0x0  }
0xf1: {  	s19 =	sadd.s32 $0x100, s18;
	[sflag:s8] =	ssyncadd.s32 $0xFFFFC000  }
0xf2: {  	[tilespmem:s11], [sflag:$0x1] =	stream.indirect.gather [hbm4b:s1+s10], $0x80, s19, s10, $0xb8;
	[tilespmem:$0x1F800] =	vst v63  }
0xf3: {  	_ =	swait.ge [sflag:s14], $0x4000  }
.Ltmp2:
0xf4: {  	[sflag:s14] =	ssyncset.done $0x0;
	(pc) =	sbr.rel @p1 .LBB2_6-.Ltmp2, $4  }
0xf5: {  	s18 =	sadd.s32 $0x1480, s18;
	[sflag:s14] =	ssyncadd.s32 $0xFFFFC000  }
0xf6: {  	[spmem:s3] =	stream.indirect.scatter.add.f32 [tilespmem:s12], [sflag:$0x3], $0x80, s18, s10, $0xb8;
	[tilespmem:$0x1F800] =	vst v63  }
0xf7: {  	_ =	swait.ge [sflag:s8], $0x4000  }
0xf8: {  	s19 =	smov.u32 s22;
	s18 =	sshra.s32 s21, $0x2;
	[sflag:s8] =	ssyncset.done $0x0  }
0xf9: {  	s19 =	sadd.s32 $0x80, s18;
	[sflag:s8] =	ssyncadd.s32 $0xFFFFC000  }
0xfa: {  	[tilespmem:s12], [sflag:$0x2] =	stream.indirect.gather [hbm4b:s1+s10], $0x80, s19, s10, $0xb8;
	[tilespmem:$0x1F800] =	vst v63  }
0xfb: {  	_ =	swait.ge [sflag:s13], $0x4000  }
0xfc: {  	[sflag:s13] =	ssyncset.done $0x0  }
0xfd: {  	s22 =	sadd.s32 $0x1400, s18;
	[sflag:s13] =	ssyncadd.s32 $0xFFFFC000  }
0xfe: {  	[spmem:s3] =	stream.indirect.scatter.add.f32 [tilespmem:s11], [sflag:$0x3], $0x80, s22, s10, $0xb8;
	[tilespmem:$0x1F800] =	vst v63  }
0xff: {  	_ =	swait.ge [sflag:s8], $0x4000  }
0x100: {  	[sflag:s8] =	ssyncset.done $0x0  }
0x101: {  	s20 =	sadd.s32 $0x100, s18;
	[sflag:s8] =	ssyncadd.s32 $0xFFFFC000  }
0x102: {  	[tilespmem:s11], [sflag:$0x1] =	stream.indirect.gather [hbm4b:s1+s10], $0x80, s20, s10, $0xb8;
	[tilespmem:$0x1F800] =	vst v63  }
0x103: {  	_ =	swait.ge [sflag:s14], $0x4000  }
0x104: {  	[sflag:s14] =	ssyncset.done $0x0  }
0x105: {  	s21 =	sadd.s32 $0x1480, s18;
	[sflag:s14] =	ssyncadd.s32 $0xFFFFC000  }
0x106: {  	[spmem:s3] =	stream.indirect.scatter.add.f32 [tilespmem:s12], [sflag:$0x3], $0x80, s21, s10, $0xb8;
	[tilespmem:$0x1F800] =	vst v63  }
0x107: {  	_ =	swait.ge [sflag:s8], $0x4000  }
0x108: {  	[sflag:s8] =	ssyncset.done $0x0  }
0x109: {  	[sflag:s8] =	ssyncadd.s32 $0xFFFFC000  }
0x10a: {  	[tilespmem:s12], [sflag:$0x2] =	stream.indirect.gather [hbm4b:s1+s10], $0x80, s15, s10, $0xb8;
	[tilespmem:$0x1F800] =	vst v63  }
0x10b: {  	_ =	swait.ge [sflag:s13], $0x4000  }
0x10c: {  	[sflag:s13] =	ssyncset.done $0x0  }
0x10d: {  	[sflag:s13] =	ssyncadd.s32 $0xFFFFC000  }
0x10e: {  	[spmem:s3] =	stream.indirect.scatter.add.f32 [tilespmem:s11], [sflag:$0x3], $0x80, s16, s10, $0xb8;
	[tilespmem:$0x1F800] =	vst v63  }
0x10f: {  	_ =	swait.ge [sflag:s8], $0x4000  }
0x110: {  	[sflag:s8] =	ssyncset.done $0x0  }
0x111: {  	[sflag:s8] =	ssyncadd.s32 $0xFFFFC000  }
0x112: {  	_ =	swait.ge [sflag:s14], $0x4000  }
0x113: {  	[sflag:s14] =	ssyncset.done $0x0  }
0x114: {  	[sflag:s14] =	ssyncadd.s32 $0xFFFFC000  }
0x115: {  	[spmem:s3] =	stream.indirect.scatter.add.f32 [tilespmem:s12], [sflag:$0x3], $0x80, s17, s10, $0xb8;
	[tilespmem:$0x1F800] =	vst v63  }
0x116: {  	_ =	swait.ge [sflag:s8], $0x4000  }
0x117: {  	[sflag:s8] =	ssyncset.done $0x0  }
0x118: {  	[sflag:s8] =	ssyncadd.s32 $0xFFFFC000  }
0x119: {  	[bflag:$0x0] =	sbarrier.arrive $0xFFFF  }
0x11a: {  	s18 =	simm.s32 @p0 $0x1FC3;
	s19 =	rddreg [dreg:$0xb]  }
0x11b: {  	[hbm:s19], [sflag:s18] =	dma.local @p0 [spmem:s24], $0x2800  }
0x11c: {  	s18 =	simm.s32 @p0 $0x3  }
0x11d: {  	s19 =	stileid.u32;
	_ =	swait.ge @p0 [sflag:s18], $0x2800  }
0x11e: {  	s19 =	sshll.u32 @!p0 s19, $0x6;
	[sflag:s18] =	ssyncset.done @p0 $0x0  }
0x11f: {  	[sflag:s18] =	ssyncadd.s32 @p0 $0xFFFFD800;
	s18 =	sor.u32 @!p0 $0x1C03, s19;
	s19 =	rddreg [dreg:$0xa]  }
0x120: {  	[hbm:s19], [sflag:s18] =	dma.local @!p0 [spmem:s25], $0x2700  }
0x121: {  	s18 =	simm.s32 @!p0 $0x3  }
0x122: {  	_ =	swait.ge @!p0 [sflag:s18], $0x2700  }
0x123: {  	s4 =	sadd.s32 $0x1, s4;
	s22 =	rddreg [dreg:$0xc]  }
0x124: {  	p1 =	sne.s32 s4, s22  }
.Ltmp3:
0x125: {  	_ = 	snop;
	(pc) =	sbr.rel @p1 .LBB2_1-.Ltmp3, $3  }
0x126: {  	_ =	sdelay $0x1  }
0x127: {  	[sflag:s18] =	ssyncset.done @!p0 $0x0  }
0x128: {  	[sflag:s18] =	ssyncadd.s32 @!p0 $0xFFFFD900  }
0x129: {  	_ =	sfence.sel $0x180000  }
0x12a: {  	[bflag:$0x0] =	sbarrier.arrive $0xFFFF  }
0x12b: {  	_ =	strace $0x90000047  }
0x12c: {  	s0 =	stileid.u32;
	[bflag:$0x2] =	sbarrier.arrive $0xFFFF  }
0x12d: {  	p0 =	sne.s32 s0, $0x0;
	s0 =	rddreg [dreg:$0x5]  }
0x12e: {  	s0 =	sadd.s32 @!p0 $0x100000, s0  }
0x12f: {  	[sflag:s0] =	ssyncadd.tile.s32 @!p0 $0x1;
	_ =	shalt  }
.Lfunc_end2:
_tile_overlayer_lowered:
.L_overlay_start_2:
0x130: {  	(tag) =	ssettag $0x2  }
0x131: {  	s0 =	rddreg [dreg:$0x0];
	s2 =	stileid.u32  }
0x132: {  	s1 =	rddreg [dreg:$0x1];
	p0 =	sne.s32 s2, $0x0  }
0x133: {  	s3 =	rddreg [dreg:$0x2];
	[bflag:$0x3] =	sbarrier.arrive $0xFFFF;
	s2 =	simm.s32 @!p0 $0x1C03  }
0x134: {  	[timem:s3], [sflag:s2] =	dma.local @!p0 [hbm:s0], s1  }
0x135: {  	s0 =	simm.s32 @!p0 $0x3  }
0x136: {  	_ =	swait.ge @!p0 [sflag:s0], s1  }
0x137: {  	s1 =	ssub.s32 @!p0 $0x0, s1;
	[sflag:s0] =	ssyncset.done @!p0 $0x0  }
0x138: {  	[sflag:s0] =	ssyncadd.s32 @!p0 s1  }
0x139: {  	[bflag:$0x3] =	sbarrier.arrive $0xFFFF  }
0x13a: {  	_ =	shalt  }

</sc_bundles>
